<compile_context>
chip_gen: v7x
topology: tpu7x:2x2x1
jax: 0.10.2.dev20260603
libtpu: 0.0.44.dev20260713+nightly
codegen_flags: <defaults>
</compile_context>

<pallas_src>
import functools

import jax
import jax.numpy as jnp
from jax import lax
from jax.experimental import pallas as pl
from jax.experimental.pallas import tpu as pltpu
from jax.experimental.pallas import tpu_sc as plsc

N_NODES = 10000
N_EDGES = 320000
D_FEAT = 128
HIDDEN = 256
HALF = 128

ROW_BLK = 1000
N_ROW_BLKS = N_NODES // ROW_BLK

N_CORES = 2
N_TILES = 16
EDGES_PER_TILE = N_EDGES // N_TILES
BATCH = 100
SUPER = 10
N_BATCH = EDGES_PER_TILE // (BATCH * SUPER)
ROWS_MAIN = 624
TAIL = N_NODES - N_TILES * ROWS_MAIN
TAIL_OFF = N_TILES * ROWS_MAIN


def _mm_body(x_ref, we_ref, be_ref, wm_ref, bm_ref, out_ref):
    h = jnp.tanh(
        jnp.dot(x_ref[...], we_ref[...], preferred_element_type=jnp.float32)
        + be_ref[...]
    )
    m = jnp.dot(h, wm_ref[...], preferred_element_type=jnp.float32) + bm_ref[0]
    out_ref[...] = jnp.maximum(m, 0.0)


def _node_messages(x, W_embed, b_embed2d, W_msg, b_msg2d):
    return pl.pallas_call(
        _mm_body,
        grid=(N_CORES, N_ROW_BLKS),
        in_specs=[
            pl.BlockSpec((ROW_BLK, D_FEAT), lambda c, i: (i, 0)),
            pl.BlockSpec((D_FEAT, HIDDEN), lambda c, i: (0, 0)),
            pl.BlockSpec((1, HIDDEN), lambda c, i: (0, 0)),
            pl.BlockSpec((HIDDEN, HALF), lambda c, i: (0, c)),
            pl.BlockSpec((1, 1, HALF), lambda c, i: (c, 0, 0)),
        ],
        out_specs=pl.BlockSpec((ROW_BLK, HALF), lambda c, i: (c * N_ROW_BLKS + i, 0)),
        out_shape=jax.ShapeDtypeStruct((N_CORES * N_NODES, HALF), jnp.float32),
    )(x, W_embed, b_embed2d, W_msg, b_msg2d)


def _edge_aggregate_body(m_hbm, src_hbm, dst_hbm, zeros_hbm, out_hbm,
                         src_v, dst_v, rows0_v, rows1_v, rows2_v, acc_s,
                         gs0, gs1, gs2):
    cid = lax.axis_index("c")
    sid = lax.axis_index("s")

    bufs = (rows0_v, rows1_v, rows2_v)
    sems = (gs0, gs1, gs2)
    n_trips = (N_BATCH - 2) // 3

    def gwait(buf, sem):
        pltpu.make_async_copy(m_hbm.at[src_v.at[0]], buf, sem).wait()

    def stage(u):
        pltpu.async_copy(src_hbm.at[cid, sid, u], src_v, gs2)
        pltpu.async_copy(dst_hbm.at[sid, u], dst_v, gs2)
        pltpu.make_async_copy(src_hbm.at[cid, sid, u], src_v, gs2).wait()
        pltpu.make_async_copy(dst_hbm.at[sid, u], dst_v, gs2).wait()

    def prologue(u):
        pltpu.async_copy(m_hbm.at[src_v.at[0]], rows0_v, gs0)
        pltpu.async_copy(m_hbm.at[src_v.at[1]], rows1_v, gs1)

    def steady(u):
        def trip_body(i, c2):
            j = i * 3
            for k in range(3):
                gwait(bufs[k], sems[k])
                pltpu.async_copy(m_hbm.at[src_v.at[j + k + 2]],
                                 bufs[(k + 2) % 3], sems[(k + 2) % 3])
                pltpu.sync_copy(bufs[k], acc_s.at[dst_v.at[j + k]], add=True)
            return c2
        lax.fori_loop(0, n_trips, trip_body, 0)

        j = n_trips * 3
        gwait(bufs[0], sems[0])
        pltpu.sync_copy(bufs[0], acc_s.at[dst_v.at[j]], add=True)
        gwait(bufs[1], sems[1])
        pltpu.sync_copy(bufs[1], acc_s.at[dst_v.at[j + 1]], add=True)

    stage(0)
    prologue(0)

    pltpu.sync_copy(zeros_hbm, acc_s.at[pl.ds(sid * ROWS_MAIN, ROWS_MAIN)])

    @pl.when(sid == 0)
    def _():
        pltpu.sync_copy(zeros_hbm.at[pl.ds(0, TAIL)],
                        acc_s.at[pl.ds(TAIL_OFF, TAIL)])

    plsc.subcore_barrier()

    steady(0)

    def chunk_body(u, carry):
        stage(u)
        prologue(u)
        steady(u)
        return carry
    lax.fori_loop(1, SUPER, chunk_body, 0)

    plsc.subcore_barrier()

    row0 = sid * ROWS_MAIN
    pltpu.sync_copy(
        acc_s.at[pl.ds(row0, ROWS_MAIN)],
        out_hbm.at[pl.ds(row0, ROWS_MAIN), pl.ds(cid * HALF, HALF)],
    )

    @pl.when(sid == 0)
    def _():
        pltpu.sync_copy(
            acc_s.at[pl.ds(TAIL_OFF, TAIL)],
            out_hbm.at[pl.ds(TAIL_OFF, TAIL), pl.ds(cid * HALF, HALF)],
        )


@functools.lru_cache(maxsize=1)
def _edge_aggregate():
    mesh = plsc.VectorSubcoreMesh(
        core_axis_name="c", subcore_axis_name="s",
        num_cores=N_CORES, num_subcores=N_TILES,
    )
    return pl.kernel(
        _edge_aggregate_body,
        out_type=jax.ShapeDtypeStruct((N_NODES, HIDDEN), jnp.float32),
        mesh=mesh,
        scratch_types=[
            pltpu.VMEM((N_BATCH, BATCH), jnp.int32),
            pltpu.VMEM((N_BATCH, BATCH), jnp.int32),
            pltpu.VMEM((BATCH, HALF), jnp.float32),
            pltpu.VMEM((BATCH, HALF), jnp.float32),
            pltpu.VMEM((BATCH, HALF), jnp.float32),
            pltpu.VMEM_SHARED((N_NODES, HALF), jnp.float32),
            pltpu.SemaphoreType.DMA,
            pltpu.SemaphoreType.DMA,
            pltpu.SemaphoreType.DMA,
        ],
    )


@jax.jit
def kernel(x, edge_index, W_embed, b_embed, W_msg, b_msg):
    m_flat = _node_messages(
        x,
        W_embed,
        b_embed.reshape(1, HIDDEN),
        W_msg,
        b_msg.reshape(N_CORES, 1, HALF),
    )
    src_r = edge_index[0].reshape(N_TILES, SUPER, N_BATCH, BATCH)
    src_t = jnp.stack([src_r, src_r + N_NODES])
    dst_t = edge_index[1].reshape(N_TILES, SUPER, N_BATCH, BATCH)
    zeros = jnp.zeros((ROWS_MAIN, HALF), jnp.float32)
    return _edge_aggregate()(m_flat, src_t, dst_t, zeros)

# --- scband reference (transcript-rebuilt; emitter-appended) ---
"""Pipeline reference for scband-gnnwrapper-59133109731610 (READ-ONLY COPY).

The authoritative reference and input builder live on the scoring server;
editing this copy changes nothing except your own understanding.
"""

import jax, jax.numpy as jnp
import numpy as np

N_NODES = 10000
N_EDGES = 320000
D_FEAT = 128
HIDDEN = 256


def setup_inputs(seed: int = 0) -> dict:
    key = jax.random.key(seed)
    k1, k2, k3, k4 = jax.random.split(key, 4)
    x = jax.random.normal(k1, (N_NODES, D_FEAT), dtype=jnp.float32)
    edge_index = jax.random.randint(k2, (2, N_EDGES), 0, N_NODES, dtype=jnp.int32)
    # learned parameters of the tf2_gnn-style GNN (node embedding + edge-MLP message fn)
    W_embed = jax.random.normal(k3, (D_FEAT, HIDDEN), dtype=jnp.float32) * 0.05
    b_embed = jnp.zeros((HIDDEN,), dtype=jnp.float32)
    W_msg = jax.random.normal(k4, (HIDDEN, HIDDEN), dtype=jnp.float32) * 0.05
    b_msg = jnp.zeros((HIDDEN,), dtype=jnp.float32)
    return {"x": x, "edge_index": edge_index, "W_embed": W_embed, "b_embed": b_embed, "W_msg": W_msg, "b_msg": b_msg}


def reference(x, edge_index, W_embed, b_embed, W_msg, b_msg):
    # GNNWrapper.call_tf2_gnn: GraphObserver.graph unpacks observations into
    # node features X and adjacency list A; the tf2_gnn GNN with
    # message_calculation_class='gnn_edge_mlp', num_layers=1, hidden_dim=256:
    # 1) initial node embedding into hidden_dim
    h = jnp.tanh(jnp.dot(x, W_embed) + b_embed)
    # 2) one round of edge-MLP message passing: per-edge gather of source
    #    states, MLP transform, sum-aggregate at destination nodes
    src = edge_index[0]
    dst = edge_index[1]
    h_src = jnp.take(h, src, axis=0)            # gather  [E, HIDDEN]
    messages = jax.nn.relu(jnp.dot(h_src, W_msg) + b_msg)
    h_new = jax.ops.segment_sum(messages, dst, num_segments=N_NODES)  # scatter-add
    return h_new

if __name__ == "__main__":
    import jax
    _d = setup_inputs()
    print(jax.jit(kernel)(*tuple(_d.values())))

</pallas_src>

<mosaic_0001>
#map = affine_map<(d0, d1) -> (0, 0)>
#map1 = affine_map<(d0, d1) -> (0, 0, 0, 0, 0)>
#map2 = affine_map<(d0, d1) -> (0, 0, 0, 0)>
module attributes {stable_mosaic.version = 14 : i64} {
  func.func @_edge_aggregate_body(%arg0: i32, %arg1: i32, %arg2: memref<20000x128xf32, #tpu.memory_space<hbm>>, %arg3: memref<2x16x10x20x100xi32, #tpu.memory_space<hbm>>, %arg4: memref<16x10x20x100xi32, #tpu.memory_space<hbm>>, %arg5: memref<624x128xf32, #tpu.memory_space<hbm>>, %arg6: memref<10000x256xf32, #tpu.memory_space<hbm>>, %arg7: memref<20x100xi32, #tpu.memory_space<vmem>>, %arg8: memref<20x100xi32, #tpu.memory_space<vmem>>, %arg9: memref<100x128xf32, #tpu.memory_space<vmem>>, %arg10: memref<100x128xf32, #tpu.memory_space<vmem>>, %arg11: memref<100x128xf32, #tpu.memory_space<vmem>>, %arg12: memref<10000x128xf32, #tpu.memory_space<vmem_shared>>, %arg13: memref<!tpu.dma_semaphore, #tpu.memory_space<semaphore_mem>>, %arg14: memref<!tpu.dma_semaphore, #tpu.memory_space<semaphore_mem>>, %arg15: memref<!tpu.dma_semaphore, #tpu.memory_space<semaphore_mem>>) attributes {dimension_semantics = [#tpu.dimension_semantics<core_parallel>, #tpu.dimension_semantics<subcore_parallel>], iteration_bounds = array<i64: 2, 16>, scalar_prefetch = 0 : i64, scratch_operands = 9 : i64, tpu.core_type = #tpu.core_type<sc_vector_subcore>, window_params = [{transform_indices = #map}, {transform_indices = #map1}, {transform_indices = #map2}, {transform_indices = #map}, {transform_indices = #map}]} {
    %dma_start3A = arith.constant 0 : i32
    %dma_start3A_0 = arith.constant 0 : i32
    %dma_start3A_1 = arith.constant 0 : i32
    %dma_start3A_2 = tpu.memref_slice %arg3[%arg0, %arg1, %dma_start3A, %dma_start3A_0, %dma_start3A_1] : memref<2x16x10x20x100xi32, #tpu.memory_space<hbm>> -> memref<1x1x1x20x100xi32, #tpu.memory_space<hbm>>
    %dma_start3A_3 = tpu.memref_squeeze %dma_start3A_2 : memref<1x1x1x20x100xi32, #tpu.memory_space<hbm>> -> memref<20x100xi32, #tpu.memory_space<hbm>>
    %dma_start3A_4 = arith.constant 0 : i32
    %dma_start3A_5 = arith.constant 0 : i32
    %dma_start3A_6 = tpu.memref_slice %arg3[%arg0, %arg1, %dma_start3A, %dma_start3A_4, %dma_start3A_5] : memref<2x16x10x20x100xi32, #tpu.memory_space<hbm>> -> memref<1x1x1x20x100xi32, #tpu.memory_space<hbm>>
    %dma_start3A_7 = tpu.memref_squeeze %dma_start3A_6 : memref<1x1x1x20x100xi32, #tpu.memory_space<hbm>> -> memref<20x100xi32, #tpu.memory_space<hbm>>
    tpu.enqueue_dma source(%dma_start3A_7 : memref<20x100xi32, #tpu.memory_space<hbm>>) target(%arg7 : memref<20x100xi32, #tpu.memory_space<vmem>>) target_semaphore(%arg15 : memref<!tpu.dma_semaphore, #tpu.memory_space<semaphore_mem>>)
    %dma_start3A_8 = arith.constant 0 : i32
    %dma_start3A_9 = arith.constant 0 : i32
    %dma_start3A_10 = arith.constant 0 : i32
    %dma_start3A_11 = tpu.memref_slice %arg4[%arg1, %dma_start3A_8, %dma_start3A_9, %dma_start3A_10] : memref<16x10x20x100xi32, #tpu.memory_space<hbm>> -> memref<1x1x20x100xi32, #tpu.memory_space<hbm>>
    %dma_start3A_12 = tpu.memref_squeeze %dma_start3A_11 : memref<1x1x20x100xi32, #tpu.memory_space<hbm>> -> memref<20x100xi32, #tpu.memory_space<hbm>>
    %dma_start3A_13 = arith.constant 0 : i32
    %dma_start3A_14 = arith.constant 0 : i32
    %dma_start3A_15 = tpu.memref_slice %arg4[%arg1, %dma_start3A_8, %dma_start3A_13, %dma_start3A_14] : memref<16x10x20x100xi32, #tpu.memory_space<hbm>> -> memref<1x1x20x100xi32, #tpu.memory_space<hbm>>
    %dma_start3A_16 = tpu.memref_squeeze %dma_start3A_15 : memref<1x1x20x100xi32, #tpu.memory_space<hbm>> -> memref<20x100xi32, #tpu.memory_space<hbm>>
    tpu.enqueue_dma source(%dma_start3A_16 : memref<20x100xi32, #tpu.memory_space<hbm>>) target(%arg8 : memref<20x100xi32, #tpu.memory_space<vmem>>) target_semaphore(%arg15 : memref<!tpu.dma_semaphore, #tpu.memory_space<semaphore_mem>>)
    %dma_wait3A = arith.constant 0 : i32
    %dma_wait3A_17 = arith.constant 0 : i32
    %dma_wait3A_18 = arith.constant 0 : i32
    %dma_wait3A_19 = tpu.memref_slice %arg3[%arg0, %arg1, %dma_wait3A, %dma_wait3A_17, %dma_wait3A_18] : memref<2x16x10x20x100xi32, #tpu.memory_space<hbm>> -> memref<1x1x1x20x100xi32, #tpu.memory_space<hbm>>
    %dma_wait3A_20 = tpu.memref_squeeze %dma_wait3A_19 : memref<1x1x1x20x100xi32, #tpu.memory_space<hbm>> -> memref<20x100xi32, #tpu.memory_space<hbm>>
    %dma_wait3A_21 = arith.constant 0 : i32
    %dma_wait3A_22 = arith.constant 0 : i32
    %dma_wait3A_23 = tpu.memref_slice %arg3[%arg0, %arg1, %dma_wait3A, %dma_wait3A_21, %dma_wait3A_22] : memref<2x16x10x20x100xi32, #tpu.memory_space<hbm>> -> memref<1x1x1x20x100xi32, #tpu.memory_space<hbm>>
    %dma_wait3A_24 = tpu.memref_squeeze %dma_wait3A_23 : memref<1x1x1x20x100xi32, #tpu.memory_space<hbm>> -> memref<20x100xi32, #tpu.memory_space<hbm>>
    tpu.wait_dma2 semaphore(%arg15 : memref<!tpu.dma_semaphore, #tpu.memory_space<semaphore_mem>>) src(%dma_wait3A_24 : memref<20x100xi32, #tpu.memory_space<hbm>>) dst(%arg7 : memref<20x100xi32, #tpu.memory_space<vmem>>)
    %dma_wait3A_25 = arith.constant 0 : i32
    %dma_wait3A_26 = arith.constant 0 : i32
    %dma_wait3A_27 = arith.constant 0 : i32
    %dma_wait3A_28 = tpu.memref_slice %arg4[%arg1, %dma_wait3A_25, %dma_wait3A_26, %dma_wait3A_27] : memref<16x10x20x100xi32, #tpu.memory_space<hbm>> -> memref<1x1x20x100xi32, #tpu.memory_space<hbm>>
    %dma_wait3A_29 = tpu.memref_squeeze %dma_wait3A_28 : memref<1x1x20x100xi32, #tpu.memory_space<hbm>> -> memref<20x100xi32, #tpu.memory_space<hbm>>
    %dma_wait3A_30 = arith.constant 0 : i32
    %dma_wait3A_31 = arith.constant 0 : i32
    %dma_wait3A_32 = tpu.memref_slice %arg4[%arg1, %dma_wait3A_25, %dma_wait3A_30, %dma_wait3A_31] : memref<16x10x20x100xi32, #tpu.memory_space<hbm>> -> memref<1x1x20x100xi32, #tpu.memory_space<hbm>>
    %dma_wait3A_33 = tpu.memref_squeeze %dma_wait3A_32 : memref<1x1x20x100xi32, #tpu.memory_space<hbm>> -> memref<20x100xi32, #tpu.memory_space<hbm>>
    tpu.wait_dma2 semaphore(%arg15 : memref<!tpu.dma_semaphore, #tpu.memory_space<semaphore_mem>>) src(%dma_wait3A_33 : memref<20x100xi32, #tpu.memory_space<hbm>>) dst(%arg8 : memref<20x100xi32, #tpu.memory_space<vmem>>)
    %dma_start3A_34 = arith.constant 0 : i32
    %dma_start3A_35 = arith.constant 0 : i32
    %dma_start3A_36 = tpu.memref_slice %arg7[%dma_start3A_34, %dma_start3A_35] : memref<20x100xi32, #tpu.memory_space<vmem>> -> memref<1x100xi32, #tpu.memory_space<vmem>>
    %dma_start3A_37 = tpu.memref_squeeze %dma_start3A_36 : memref<1x100xi32, #tpu.memory_space<vmem>> -> memref<100xi32, #tpu.memory_space<vmem>>
    %dma_start3A_38 = arith.constant 0 : i32
    %dma_start3A_39 = arith.constant 0 : i32
    %dma_start3A_40 = tpu.memref_slice %arg2[%dma_start3A_38, %dma_start3A_39] : memref<20000x128xf32, #tpu.memory_space<hbm>> -> memref<20000x128xf32, #tpu.memory_space<hbm>>
    tpu.enqueue_indirect_dma source(%dma_start3A_40 : memref<20000x128xf32, #tpu.memory_space<hbm>>) target(%arg9 : memref<100x128xf32, #tpu.memory_space<vmem>>) offsets(%dma_start3A_37 : memref<100xi32, #tpu.memory_space<vmem>>) semaphore(%arg13 : memref<!tpu.dma_semaphore, #tpu.memory_space<semaphore_mem>>)
    %dma_start3A_41 = arith.constant 1 : i32
    %dma_start3A_42 = arith.constant 0 : i32
    %dma_start3A_43 = tpu.memref_slice %arg7[%dma_start3A_41, %dma_start3A_42] : memref<20x100xi32, #tpu.memory_space<vmem>> -> memref<1x100xi32, #tpu.memory_space<vmem>>
    %dma_start3A_44 = tpu.memref_squeeze %dma_start3A_43 : memref<1x100xi32, #tpu.memory_space<vmem>> -> memref<100xi32, #tpu.memory_space<vmem>>
    %dma_start3A_45 = arith.constant 0 : i32
    %dma_start3A_46 = arith.constant 0 : i32
    %dma_start3A_47 = tpu.memref_slice %arg2[%dma_start3A_45, %dma_start3A_46] : memref<20000x128xf32, #tpu.memory_space<hbm>> -> memref<20000x128xf32, #tpu.memory_space<hbm>>
    tpu.enqueue_indirect_dma source(%dma_start3A_47 : memref<20000x128xf32, #tpu.memory_space<hbm>>) target(%arg10 : memref<100x128xf32, #tpu.memory_space<vmem>>) offsets(%dma_start3A_44 : memref<100xi32, #tpu.memory_space<vmem>>) semaphore(%arg14 : memref<!tpu.dma_semaphore, #tpu.memory_space<semaphore_mem>>)
    %mul3A = arith.constant 624 : i32
    %mul3A_48 = arith.muli %arg1, %mul3A : i32
    "tpu.region"() ({
      %run_scoped3A_87 = tpu.sem_alloc : memref<!tpu.dma_semaphore, #tpu.memory_space<semaphore_mem>>
      %dma_start3A_88 = arith.constant 0 : i32
      %dma_start3A_89 = tpu.memref_slice %arg12[%mul3A_48, %dma_start3A_88] : memref<10000x128xf32, #tpu.memory_space<vmem_shared>> -> memref<624x128xf32, #tpu.memory_space<vmem_shared>>
      tpu.enqueue_dma source(%arg5 : memref<624x128xf32, #tpu.memory_space<hbm>>) target(%dma_start3A_89 : memref<624x128xf32, #tpu.memory_space<vmem_shared>>) target_semaphore(%run_scoped3A_87 : memref<!tpu.dma_semaphore, #tpu.memory_space<semaphore_mem>>)
      %dma_wait3A_90 = arith.constant 0 : i32
      %dma_wait3A_91 = tpu.memref_slice %arg12[%mul3A_48, %dma_wait3A_90] : memref<10000x128xf32, #tpu.memory_space<vmem_shared>> -> memref<624x128xf32, #tpu.memory_space<vmem_shared>>
      tpu.wait_dma2 semaphore(%run_scoped3A_87 : memref<!tpu.dma_semaphore, #tpu.memory_space<semaphore_mem>>) src(%arg5 : memref<624x128xf32, #tpu.memory_space<hbm>>) dst(%dma_wait3A_91 : memref<624x128xf32, #tpu.memory_space<vmem_shared>>)
      tpu.yield
    }) : () -> ()
    %eq3A = arith.constant 0 : i32
    %eq3A_49 = arith.cmpi eq, %arg1, %eq3A : i32
    %convert_element_type3A = arith.extui %eq3A_49 : i1 to i32
    %cond3A = arith.constant 0 : i32
    %cond3A_50 = arith.cmpi ne, %convert_element_type3A, %cond3A : i32
    scf.if %cond3A_50 {
      "tpu.region"() ({
        %run_scoped3A_87 = tpu.sem_alloc : memref<!tpu.dma_semaphore, #tpu.memory_space<semaphore_mem>>
        %dma_start3A_88 = arith.constant 9984 : i32
        %dma_start3A_89 = arith.constant 0 : i32
        %dma_start3A_90 = tpu.memref_slice %arg12[%dma_start3A_88, %dma_start3A_89] : memref<10000x128xf32, #tpu.memory_space<vmem_shared>> -> memref<16x128xf32, #tpu.memory_space<vmem_shared>>
        %dma_start3A_91 = arith.constant 0 : i32
        %dma_start3A_92 = arith.constant 0 : i32
        %dma_start3A_93 = tpu.memref_slice %arg5[%dma_start3A_91, %dma_start3A_92] : memref<624x128xf32, #tpu.memory_space<hbm>> -> memref<16x128xf32, #tpu.memory_space<hbm>>
        tpu.enqueue_dma source(%dma_start3A_93 : memref<16x128xf32, #tpu.memory_space<hbm>>) target(%dma_start3A_90 : memref<16x128xf32, #tpu.memory_space<vmem_shared>>) target_semaphore(%run_scoped3A_87 : memref<!tpu.dma_semaphore, #tpu.memory_space<semaphore_mem>>)
        %dma_wait3A_94 = arith.constant 9984 : i32
        %dma_wait3A_95 = arith.constant 0 : i32
        %dma_wait3A_96 = tpu.memref_slice %arg12[%dma_wait3A_94, %dma_wait3A_95] : memref<10000x128xf32, #tpu.memory_space<vmem_shared>> -> memref<16x128xf32, #tpu.memory_space<vmem_shared>>
        %dma_wait3A_97 = arith.constant 0 : i32
        %dma_wait3A_98 = arith.constant 0 : i32
        %dma_wait3A_99 = tpu.memref_slice %arg5[%dma_wait3A_97, %dma_wait3A_98] : memref<624x128xf32, #tpu.memory_space<hbm>> -> memref<16x128xf32, #tpu.memory_space<hbm>>
        tpu.wait_dma2 semaphore(%run_scoped3A_87 : memref<!tpu.dma_semaphore, #tpu.memory_space<semaphore_mem>>) src(%dma_wait3A_99 : memref<16x128xf32, #tpu.memory_space<hbm>>) dst(%dma_wait3A_96 : memref<16x128xf32, #tpu.memory_space<vmem_shared>>)
        tpu.yield
      }) : () -> ()
    } else {
    }
    %barrier3A = arith.constant 0 : index
    tpu.barrier barrier_id(%barrier3A)
    %scan3A = arith.constant 0 : i32
    %scan3A_51 = arith.constant 0 : i32
    %scan3A_52 = arith.constant 6 : i32
    %scan3A_53 = arith.addi %scan3A_51, %scan3A_52 : i32
    %scan3A_54 = arith.constant 1 : i32
    scf.for %scan3A_87 = %scan3A_51 to %scan3A_53 step %scan3A_54  : i32 {
      %mul3A_88 = arith.constant 3 : i32
      %mul3A_89 = arith.muli %scan3A_87, %mul3A_88 : i32
      %dma_wait3A_90 = arith.constant 0 : i32
      %dma_wait3A_91 = arith.constant 0 : i32
      %dma_wait3A_92 = tpu.memref_slice %arg7[%dma_wait3A_90, %dma_wait3A_91] : memref<20x100xi32, #tpu.memory_space<vmem>> -> memref<1x100xi32, #tpu.memory_space<vmem>>
      %dma_wait3A_93 = tpu.memref_squeeze %dma_wait3A_92 : memref<1x100xi32, #tpu.memory_space<vmem>> -> memref<100xi32, #tpu.memory_space<vmem>>
      %dma_wait3A_94 = arith.constant 0 : i32
      %dma_wait3A_95 = arith.constant 0 : i32
      %dma_wait3A_96 = tpu.memref_slice %arg2[%dma_wait3A_94, %dma_wait3A_95] : memref<20000x128xf32, #tpu.memory_space<hbm>> -> memref<20000x128xf32, #tpu.memory_space<hbm>>
      tpu.wait_indirect_dma semaphore(%arg13 : memref<!tpu.dma_semaphore, #tpu.memory_space<semaphore_mem>>) src(%dma_wait3A_96 : memref<20000x128xf32, #tpu.memory_space<hbm>>) dst(%arg9 : memref<100x128xf32, #tpu.memory_space<vmem>>)
      %add3A = arith.constant 0 : i32
      %add3A_97 = arith.addi %mul3A_89, %add3A : i32
      %add3A_98 = arith.constant 2 : i32
      %add3A_99 = arith.addi %add3A_97, %add3A_98 : i32
      %dma_start3A_100 = arith.constant 0 : i32
      %dma_start3A_101 = tpu.memref_slice %arg7[%add3A_99, %dma_start3A_100] : memref<20x100xi32, #tpu.memory_space<vmem>> -> memref<1x100xi32, #tpu.memory_space<vmem>>
      %dma_start3A_102 = tpu.memref_squeeze %dma_start3A_101 : memref<1x100xi32, #tpu.memory_space<vmem>> -> memref<100xi32, #tpu.memory_space<vmem>>
      %dma_start3A_103 = arith.constant 0 : i32
      %dma_start3A_104 = arith.constant 0 : i32
      %dma_start3A_105 = tpu.memref_slice %arg2[%dma_start3A_103, %dma_start3A_104] : memref<20000x128xf32, #tpu.memory_space<hbm>> -> memref<20000x128xf32, #tpu.memory_space<hbm>>
      tpu.enqueue_indirect_dma source(%dma_start3A_105 : memref<20000x128xf32, #tpu.memory_space<hbm>>) target(%arg11 : memref<100x128xf32, #tpu.memory_space<vmem>>) offsets(%dma_start3A_102 : memref<100xi32, #tpu.memory_space<vmem>>) semaphore(%arg15 : memref<!tpu.dma_semaphore, #tpu.memory_space<semaphore_mem>>)
      %add3A_106 = arith.constant 0 : i32
      %add3A_107 = arith.addi %mul3A_89, %add3A_106 : i32
      "tpu.region"() ({
        %run_scoped3A_146 = tpu.sem_alloc : memref<!tpu.dma_semaphore, #tpu.memory_space<semaphore_mem>>
        %dma_start3A_147 = arith.constant 0 : i32
        %dma_start3A_148 = tpu.memref_slice %arg8[%add3A_107, %dma_start3A_147] : memref<20x100xi32, #tpu.memory_space<vmem>> -> memref<1x100xi32, #tpu.memory_space<vmem>>
        %dma_start3A_149 = tpu.memref_squeeze %dma_start3A_148 : memref<1x100xi32, #tpu.memory_space<vmem>> -> memref<100xi32, #tpu.memory_space<vmem>>
        %dma_start3A_150 = arith.constant 0 : i32
        %dma_start3A_151 = arith.constant 0 : i32
        %dma_start3A_152 = tpu.memref_slice %arg12[%dma_start3A_150, %dma_start3A_151] : memref<10000x128xf32, #tpu.memory_space<vmem_shared>> -> memref<10000x128xf32, #tpu.memory_space<vmem_shared>>
        tpu.enqueue_indirect_dma source(%arg9 : memref<100x128xf32, #tpu.memory_space<vmem>>) target(%dma_start3A_152 : memref<10000x128xf32, #tpu.memory_space<vmem_shared>>) offsets(%dma_start3A_149 : memref<100xi32, #tpu.memory_space<vmem>>) semaphore(%run_scoped3A_146 : memref<!tpu.dma_semaphore, #tpu.memory_space<semaphore_mem>>) {add = true}
        %dma_wait3A_153 = arith.constant 0 : i32
        %dma_wait3A_154 = tpu.memref_slice %arg8[%add3A_107, %dma_wait3A_153] : memref<20x100xi32, #tpu.memory_space<vmem>> -> memref<1x100xi32, #tpu.memory_space<vmem>>
        %dma_wait3A_155 = tpu.memref_squeeze %dma_wait3A_154 : memref<1x100xi32, #tpu.memory_space<vmem>> -> memref<100xi32, #tpu.memory_space<vmem>>
        %dma_wait3A_156 = arith.constant 0 : i32
        %dma_wait3A_157 = arith.constant 0 : i32
        %dma_wait3A_158 = tpu.memref_slice %arg12[%dma_wait3A_156, %dma_wait3A_157] : memref<10000x128xf32, #tpu.memory_space<vmem_shared>> -> memref<10000x128xf32, #tpu.memory_space<vmem_shared>>
        tpu.wait_indirect_dma semaphore(%run_scoped3A_146 : memref<!tpu.dma_semaphore, #tpu.memory_space<semaphore_mem>>) src(%arg9 : memref<100x128xf32, #tpu.memory_space<vmem>>) dst(%dma_wait3A_158 : memref<10000x128xf32, #tpu.memory_space<vmem_shared>>)
        tpu.yield
      }) : () -> ()
      %dma_wait3A_108 = arith.constant 0 : i32
      %dma_wait3A_109 = arith.constant 0 : i32
      %dma_wait3A_110 = tpu.memref_slice %arg7[%dma_wait3A_108, %dma_wait3A_109] : memref<20x100xi32, #tpu.memory_space<vmem>> -> memref<1x100xi32, #tpu.memory_space<vmem>>
      %dma_wait3A_111 = tpu.memref_squeeze %dma_wait3A_110 : memref<1x100xi32, #tpu.memory_space<vmem>> -> memref<100xi32, #tpu.memory_space<vmem>>
      %dma_wait3A_112 = arith.constant 0 : i32
      %dma_wait3A_113 = arith.constant 0 : i32
      %dma_wait3A_114 = tpu.memref_slice %arg2[%dma_wait3A_112, %dma_wait3A_113] : memref<20000x128xf32, #tpu.memory_space<hbm>> -> memref<20000x128xf32, #tpu.memory_space<hbm>>
      tpu.wait_indirect_dma semaphore(%arg14 : memref<!tpu.dma_semaphore, #tpu.memory_space<semaphore_mem>>) src(%dma_wait3A_114 : memref<20000x128xf32, #tpu.memory_space<hbm>>) dst(%arg10 : memref<100x128xf32, #tpu.memory_space<vmem>>)
      %add3A_115 = arith.constant 1 : i32
      %add3A_116 = arith.addi %mul3A_89, %add3A_115 : i32
      %add3A_117 = arith.constant 2 : i32
      %add3A_118 = arith.addi %add3A_116, %add3A_117 : i32
      %dma_start3A_119 = arith.constant 0 : i32
      %dma_start3A_120 = tpu.memref_slice %arg7[%add3A_118, %dma_start3A_119] : memref<20x100xi32, #tpu.memory_space<vmem>> -> memref<1x100xi32, #tpu.memory_space<vmem>>
      %dma_start3A_121 = tpu.memref_squeeze %dma_start3A_120 : memref<1x100xi32, #tpu.memory_space<vmem>> -> memref<100xi32, #tpu.memory_space<vmem>>
      %dma_start3A_122 = arith.constant 0 : i32
      %dma_start3A_123 = arith.constant 0 : i32
      %dma_start3A_124 = tpu.memref_slice %arg2[%dma_start3A_122, %dma_start3A_123] : memref<20000x128xf32, #tpu.memory_space<hbm>> -> memref<20000x128xf32, #tpu.memory_space<hbm>>
      tpu.enqueue_indirect_dma source(%dma_start3A_124 : memref<20000x128xf32, #tpu.memory_space<hbm>>) target(%arg9 : memref<100x128xf32, #tpu.memory_space<vmem>>) offsets(%dma_start3A_121 : memref<100xi32, #tpu.memory_space<vmem>>) semaphore(%arg13 : memref<!tpu.dma_semaphore, #tpu.memory_space<semaphore_mem>>)
      %add3A_125 = arith.constant 1 : i32
      %add3A_126 = arith.addi %mul3A_89, %add3A_125 : i32
      "tpu.region"() ({
        %run_scoped3A_146 = tpu.sem_alloc : memref<!tpu.dma_semaphore, #tpu.memory_space<semaphore_mem>>
        %dma_start3A_147 = arith.constant 0 : i32
        %dma_start3A_148 = tpu.memref_slice %arg8[%add3A_126, %dma_start3A_147] : memref<20x100xi32, #tpu.memory_space<vmem>> -> memref<1x100xi32, #tpu.memory_space<vmem>>
        %dma_start3A_149 = tpu.memref_squeeze %dma_start3A_148 : memref<1x100xi32, #tpu.memory_space<vmem>> -> memref<100xi32, #tpu.memory_space<vmem>>
        %dma_start3A_150 = arith.constant 0 : i32
        %dma_start3A_151 = arith.constant 0 : i32
        %dma_start3A_152 = tpu.memref_slice %arg12[%dma_start3A_150, %dma_start3A_151] : memref<10000x128xf32, #tpu.memory_space<vmem_shared>> -> memref<10000x128xf32, #tpu.memory_space<vmem_shared>>
        tpu.enqueue_indirect_dma source(%arg10 : memref<100x128xf32, #tpu.memory_space<vmem>>) target(%dma_start3A_152 : memref<10000x128xf32, #tpu.memory_space<vmem_shared>>) offsets(%dma_start3A_149 : memref<100xi32, #tpu.memory_space<vmem>>) semaphore(%run_scoped3A_146 : memref<!tpu.dma_semaphore, #tpu.memory_space<semaphore_mem>>) {add = true}
        %dma_wait3A_153 = arith.constant 0 : i32
        %dma_wait3A_154 = tpu.memref_slice %arg8[%add3A_126, %dma_wait3A_153] : memref<20x100xi32, #tpu.memory_space<vmem>> -> memref<1x100xi32, #tpu.memory_space<vmem>>
        %dma_wait3A_155 = tpu.memref_squeeze %dma_wait3A_154 : memref<1x100xi32, #tpu.memory_space<vmem>> -> memref<100xi32, #tpu.memory_space<vmem>>
        %dma_wait3A_156 = arith.constant 0 : i32
        %dma_wait3A_157 = arith.constant 0 : i32
        %dma_wait3A_158 = tpu.memref_slice %arg12[%dma_wait3A_156, %dma_wait3A_157] : memref<10000x128xf32, #tpu.memory_space<vmem_shared>> -> memref<10000x128xf32, #tpu.memory_space<vmem_shared>>
        tpu.wait_indirect_dma semaphore(%run_scoped3A_146 : memref<!tpu.dma_semaphore, #tpu.memory_space<semaphore_mem>>) src(%arg10 : memref<100x128xf32, #tpu.memory_space<vmem>>) dst(%dma_wait3A_158 : memref<10000x128xf32, #tpu.memory_space<vmem_shared>>)
        tpu.yield
      }) : () -> ()
      %dma_wait3A_127 = arith.constant 0 : i32
      %dma_wait3A_128 = arith.constant 0 : i32
      %dma_wait3A_129 = tpu.memref_slice %arg7[%dma_wait3A_127, %dma_wait3A_128] : memref<20x100xi32, #tpu.memory_space<vmem>> -> memref<1x100xi32, #tpu.memory_space<vmem>>
      %dma_wait3A_130 = tpu.memref_squeeze %dma_wait3A_129 : memref<1x100xi32, #tpu.memory_space<vmem>> -> memref<100xi32, #tpu.memory_space<vmem>>
      %dma_wait3A_131 = arith.constant 0 : i32
      %dma_wait3A_132 = arith.constant 0 : i32
      %dma_wait3A_133 = tpu.memref_slice %arg2[%dma_wait3A_131, %dma_wait3A_132] : memref<20000x128xf32, #tpu.memory_space<hbm>> -> memref<20000x128xf32, #tpu.memory_space<hbm>>
      tpu.wait_indirect_dma semaphore(%arg15 : memref<!tpu.dma_semaphore, #tpu.memory_space<semaphore_mem>>) src(%dma_wait3A_133 : memref<20000x128xf32, #tpu.memory_space<hbm>>) dst(%arg11 : memref<100x128xf32, #tpu.memory_space<vmem>>)
      %add3A_134 = arith.constant 2 : i32
      %add3A_135 = arith.addi %mul3A_89, %add3A_134 : i32
      %add3A_136 = arith.constant 2 : i32
      %add3A_137 = arith.addi %add3A_135, %add3A_136 : i32
      %dma_start3A_138 = arith.constant 0 : i32
      %dma_start3A_139 = tpu.memref_slice %arg7[%add3A_137, %dma_start3A_138] : memref<20x100xi32, #tpu.memory_space<vmem>> -> memref<1x100xi32, #tpu.memory_space<vmem>>
      %dma_start3A_140 = tpu.memref_squeeze %dma_start3A_139 : memref<1x100xi32, #tpu.memory_space<vmem>> -> memref<100xi32, #tpu.memory_space<vmem>>
      %dma_start3A_141 = arith.constant 0 : i32
      %dma_start3A_142 = arith.constant 0 : i32
      %dma_start3A_143 = tpu.memref_slice %arg2[%dma_start3A_141, %dma_start3A_142] : memref<20000x128xf32, #tpu.memory_space<hbm>> -> memref<20000x128xf32, #tpu.memory_space<hbm>>
      tpu.enqueue_indirect_dma source(%dma_start3A_143 : memref<20000x128xf32, #tpu.memory_space<hbm>>) target(%arg10 : memref<100x128xf32, #tpu.memory_space<vmem>>) offsets(%dma_start3A_140 : memref<100xi32, #tpu.memory_space<vmem>>) semaphore(%arg14 : memref<!tpu.dma_semaphore, #tpu.memory_space<semaphore_mem>>)
      %add3A_144 = arith.constant 2 : i32
      %add3A_145 = arith.addi %mul3A_89, %add3A_144 : i32
      "tpu.region"() ({
        %run_scoped3A_146 = tpu.sem_alloc : memref<!tpu.dma_semaphore, #tpu.memory_space<semaphore_mem>>
        %dma_start3A_147 = arith.constant 0 : i32
        %dma_start3A_148 = tpu.memref_slice %arg8[%add3A_145, %dma_start3A_147] : memref<20x100xi32, #tpu.memory_space<vmem>> -> memref<1x100xi32, #tpu.memory_space<vmem>>
        %dma_start3A_149 = tpu.memref_squeeze %dma_start3A_148 : memref<1x100xi32, #tpu.memory_space<vmem>> -> memref<100xi32, #tpu.memory_space<vmem>>
        %dma_start3A_150 = arith.constant 0 : i32
        %dma_start3A_151 = arith.constant 0 : i32
        %dma_start3A_152 = tpu.memref_slice %arg12[%dma_start3A_150, %dma_start3A_151] : memref<10000x128xf32, #tpu.memory_space<vmem_shared>> -> memref<10000x128xf32, #tpu.memory_space<vmem_shared>>
        tpu.enqueue_indirect_dma source(%arg11 : memref<100x128xf32, #tpu.memory_space<vmem>>) target(%dma_start3A_152 : memref<10000x128xf32, #tpu.memory_space<vmem_shared>>) offsets(%dma_start3A_149 : memref<100xi32, #tpu.memory_space<vmem>>) semaphore(%run_scoped3A_146 : memref<!tpu.dma_semaphore, #tpu.memory_space<semaphore_mem>>) {add = true}
        %dma_wait3A_153 = arith.constant 0 : i32
        %dma_wait3A_154 = tpu.memref_slice %arg8[%add3A_145, %dma_wait3A_153] : memref<20x100xi32, #tpu.memory_space<vmem>> -> memref<1x100xi32, #tpu.memory_space<vmem>>
        %dma_wait3A_155 = tpu.memref_squeeze %dma_wait3A_154 : memref<1x100xi32, #tpu.memory_space<vmem>> -> memref<100xi32, #tpu.memory_space<vmem>>
        %dma_wait3A_156 = arith.constant 0 : i32
        %dma_wait3A_157 = arith.constant 0 : i32
        %dma_wait3A_158 = tpu.memref_slice %arg12[%dma_wait3A_156, %dma_wait3A_157] : memref<10000x128xf32, #tpu.memory_space<vmem_shared>> -> memref<10000x128xf32, #tpu.memory_space<vmem_shared>>
        tpu.wait_indirect_dma semaphore(%run_scoped3A_146 : memref<!tpu.dma_semaphore, #tpu.memory_space<semaphore_mem>>) src(%arg11 : memref<100x128xf32, #tpu.memory_space<vmem>>) dst(%dma_wait3A_158 : memref<10000x128xf32, #tpu.memory_space<vmem_shared>>)
        tpu.yield
      }) : () -> ()
    }
    %scan3A_55 = arith.constant 6 : i32
    %dma_wait3A_56 = arith.constant 0 : i32
    %dma_wait3A_57 = arith.constant 0 : i32
    %dma_wait3A_58 = tpu.memref_slice %arg7[%dma_wait3A_56, %dma_wait3A_57] : memref<20x100xi32, #tpu.memory_space<vmem>> -> memref<1x100xi32, #tpu.memory_space<vmem>>
    %dma_wait3A_59 = tpu.memref_squeeze %dma_wait3A_58 : memref<1x100xi32, #tpu.memory_space<vmem>> -> memref<100xi32, #tpu.memory_space<vmem>>
    %dma_wait3A_60 = arith.constant 0 : i32
    %dma_wait3A_61 = arith.constant 0 : i32
    %dma_wait3A_62 = tpu.memref_slice %arg2[%dma_wait3A_60, %dma_wait3A_61] : memref<20000x128xf32, #tpu.memory_space<hbm>> -> memref<20000x128xf32, #tpu.memory_space<hbm>>
    tpu.wait_indirect_dma semaphore(%arg13 : memref<!tpu.dma_semaphore, #tpu.memory_space<semaphore_mem>>) src(%dma_wait3A_62 : memref<20000x128xf32, #tpu.memory_space<hbm>>) dst(%arg9 : memref<100x128xf32, #tpu.memory_space<vmem>>)
    %run_scoped3A = arith.constant 18 : i32
    "tpu.region"() ({
      %run_scoped3A_87 = tpu.sem_alloc : memref<!tpu.dma_semaphore, #tpu.memory_space<semaphore_mem>>
      %dma_start3A_88 = arith.constant 0 : i32
      %dma_start3A_89 = tpu.memref_slice %arg8[%run_scoped3A, %dma_start3A_88] : memref<20x100xi32, #tpu.memory_space<vmem>> -> memref<1x100xi32, #tpu.memory_space<vmem>>
      %dma_start3A_90 = tpu.memref_squeeze %dma_start3A_89 : memref<1x100xi32, #tpu.memory_space<vmem>> -> memref<100xi32, #tpu.memory_space<vmem>>
      %dma_start3A_91 = arith.constant 0 : i32
      %dma_start3A_92 = arith.constant 0 : i32
      %dma_start3A_93 = tpu.memref_slice %arg12[%dma_start3A_91, %dma_start3A_92] : memref<10000x128xf32, #tpu.memory_space<vmem_shared>> -> memref<10000x128xf32, #tpu.memory_space<vmem_shared>>
      tpu.enqueue_indirect_dma source(%arg9 : memref<100x128xf32, #tpu.memory_space<vmem>>) target(%dma_start3A_93 : memref<10000x128xf32, #tpu.memory_space<vmem_shared>>) offsets(%dma_start3A_90 : memref<100xi32, #tpu.memory_space<vmem>>) semaphore(%run_scoped3A_87 : memref<!tpu.dma_semaphore, #tpu.memory_space<semaphore_mem>>) {add = true}
      %dma_wait3A_94 = arith.constant 0 : i32
      %dma_wait3A_95 = tpu.memref_slice %arg8[%run_scoped3A, %dma_wait3A_94] : memref<20x100xi32, #tpu.memory_space<vmem>> -> memref<1x100xi32, #tpu.memory_space<vmem>>
      %dma_wait3A_96 = tpu.memref_squeeze %dma_wait3A_95 : memref<1x100xi32, #tpu.memory_space<vmem>> -> memref<100xi32, #tpu.memory_space<vmem>>
      %dma_wait3A_97 = arith.constant 0 : i32
      %dma_wait3A_98 = arith.constant 0 : i32
      %dma_wait3A_99 = tpu.memref_slice %arg12[%dma_wait3A_97, %dma_wait3A_98] : memref<10000x128xf32, #tpu.memory_space<vmem_shared>> -> memref<10000x128xf32, #tpu.memory_space<vmem_shared>>
      tpu.wait_indirect_dma semaphore(%run_scoped3A_87 : memref<!tpu.dma_semaphore, #tpu.memory_space<semaphore_mem>>) src(%arg9 : memref<100x128xf32, #tpu.memory_space<vmem>>) dst(%dma_wait3A_99 : memref<10000x128xf32, #tpu.memory_space<vmem_shared>>)
      tpu.yield
    }) : () -> ()
    %dma_wait3A_63 = arith.constant 0 : i32
    %dma_wait3A_64 = arith.constant 0 : i32
    %dma_wait3A_65 = tpu.memref_slice %arg7[%dma_wait3A_63, %dma_wait3A_64] : memref<20x100xi32, #tpu.memory_space<vmem>> -> memref<1x100xi32, #tpu.memory_space<vmem>>
    %dma_wait3A_66 = tpu.memref_squeeze %dma_wait3A_65 : memref<1x100xi32, #tpu.memory_space<vmem>> -> memref<100xi32, #tpu.memory_space<vmem>>
    %dma_wait3A_67 = arith.constant 0 : i32
    %dma_wait3A_68 = arith.constant 0 : i32
    %dma_wait3A_69 = tpu.memref_slice %arg2[%dma_wait3A_67, %dma_wait3A_68] : memref<20000x128xf32, #tpu.memory_space<hbm>> -> memref<20000x128xf32, #tpu.memory_space<hbm>>
    tpu.wait_indirect_dma semaphore(%arg14 : memref<!tpu.dma_semaphore, #tpu.memory_space<semaphore_mem>>) src(%dma_wait3A_69 : memref<20000x128xf32, #tpu.memory_space<hbm>>) dst(%arg10 : memref<100x128xf32, #tpu.memory_space<vmem>>)
    %run_scoped3A_70 = arith.constant 19 : i32
    "tpu.region"() ({
      %run_scoped3A_87 = tpu.sem_alloc : memref<!tpu.dma_semaphore, #tpu.memory_space<semaphore_mem>>
      %dma_start3A_88 = arith.constant 0 : i32
      %dma_start3A_89 = tpu.memref_slice %arg8[%run_scoped3A_70, %dma_start3A_88] : memref<20x100xi32, #tpu.memory_space<vmem>> -> memref<1x100xi32, #tpu.memory_space<vmem>>
      %dma_start3A_90 = tpu.memref_squeeze %dma_start3A_89 : memref<1x100xi32, #tpu.memory_space<vmem>> -> memref<100xi32, #tpu.memory_space<vmem>>
      %dma_start3A_91 = arith.constant 0 : i32
      %dma_start3A_92 = arith.constant 0 : i32
      %dma_start3A_93 = tpu.memref_slice %arg12[%dma_start3A_91, %dma_start3A_92] : memref<10000x128xf32, #tpu.memory_space<vmem_shared>> -> memref<10000x128xf32, #tpu.memory_space<vmem_shared>>
      tpu.enqueue_indirect_dma source(%arg10 : memref<100x128xf32, #tpu.memory_space<vmem>>) target(%dma_start3A_93 : memref<10000x128xf32, #tpu.memory_space<vmem_shared>>) offsets(%dma_start3A_90 : memref<100xi32, #tpu.memory_space<vmem>>) semaphore(%run_scoped3A_87 : memref<!tpu.dma_semaphore, #tpu.memory_space<semaphore_mem>>) {add = true}
      %dma_wait3A_94 = arith.constant 0 : i32
      %dma_wait3A_95 = tpu.memref_slice %arg8[%run_scoped3A_70, %dma_wait3A_94] : memref<20x100xi32, #tpu.memory_space<vmem>> -> memref<1x100xi32, #tpu.memory_space<vmem>>
      %dma_wait3A_96 = tpu.memref_squeeze %dma_wait3A_95 : memref<1x100xi32, #tpu.memory_space<vmem>> -> memref<100xi32, #tpu.memory_space<vmem>>
      %dma_wait3A_97 = arith.constant 0 : i32
      %dma_wait3A_98 = arith.constant 0 : i32
      %dma_wait3A_99 = tpu.memref_slice %arg12[%dma_wait3A_97, %dma_wait3A_98] : memref<10000x128xf32, #tpu.memory_space<vmem_shared>> -> memref<10000x128xf32, #tpu.memory_space<vmem_shared>>
      tpu.wait_indirect_dma semaphore(%run_scoped3A_87 : memref<!tpu.dma_semaphore, #tpu.memory_space<semaphore_mem>>) src(%arg10 : memref<100x128xf32, #tpu.memory_space<vmem>>) dst(%dma_wait3A_99 : memref<10000x128xf32, #tpu.memory_space<vmem_shared>>)
      tpu.yield
    }) : () -> ()
    %scan3A_71 = arith.constant 0 : i32
    %scan3A_72 = arith.constant 1 : i32
    %scan3A_73 = arith.constant 9 : i32
    %scan3A_74 = arith.addi %scan3A_72, %scan3A_73 : i32
    %scan3A_75 = arith.constant 1 : i32
    scf.for %scan3A_87 = %scan3A_72 to %scan3A_74 step %scan3A_75  : i32 {
      %dma_start3A_88 = arith.constant 0 : i32
      %dma_start3A_89 = arith.constant 0 : i32
      %dma_start3A_90 = tpu.memref_slice %arg3[%arg0, %arg1, %scan3A_87, %dma_start3A_88, %dma_start3A_89] : memref<2x16x10x20x100xi32, #tpu.memory_space<hbm>> -> memref<1x1x1x20x100xi32, #tpu.memory_space<hbm>>
      %dma_start3A_91 = tpu.memref_squeeze %dma_start3A_90 : memref<1x1x1x20x100xi32, #tpu.memory_space<hbm>> -> memref<20x100xi32, #tpu.memory_space<hbm>>
      %dma_start3A_92 = arith.constant 0 : i32
      %dma_start3A_93 = arith.constant 0 : i32
      %dma_start3A_94 = tpu.memref_slice %arg3[%arg0, %arg1, %scan3A_87, %dma_start3A_92, %dma_start3A_93] : memref<2x16x10x20x100xi32, #tpu.memory_space<hbm>> -> memref<1x1x1x20x100xi32, #tpu.memory_space<hbm>>
      %dma_start3A_95 = tpu.memref_squeeze %dma_start3A_94 : memref<1x1x1x20x100xi32, #tpu.memory_space<hbm>> -> memref<20x100xi32, #tpu.memory_space<hbm>>
      tpu.enqueue_dma source(%dma_start3A_95 : memref<20x100xi32, #tpu.memory_space<hbm>>) target(%arg7 : memref<20x100xi32, #tpu.memory_space<vmem>>) target_semaphore(%arg15 : memref<!tpu.dma_semaphore, #tpu.memory_space<semaphore_mem>>)
      %dma_start3A_96 = arith.constant 0 : i32
      %dma_start3A_97 = arith.constant 0 : i32
      %dma_start3A_98 = tpu.memref_slice %arg4[%arg1, %scan3A_87, %dma_start3A_96, %dma_start3A_97] : memref<16x10x20x100xi32, #tpu.memory_space<hbm>> -> memref<1x1x20x100xi32, #tpu.memory_space<hbm>>
      %dma_start3A_99 = tpu.memref_squeeze %dma_start3A_98 : memref<1x1x20x100xi32, #tpu.memory_space<hbm>> -> memref<20x100xi32, #tpu.memory_space<hbm>>
      %dma_start3A_100 = arith.constant 0 : i32
      %dma_start3A_101 = arith.constant 0 : i32
      %dma_start3A_102 = tpu.memref_slice %arg4[%arg1, %scan3A_87, %dma_start3A_100, %dma_start3A_101] : memref<16x10x20x100xi32, #tpu.memory_space<hbm>> -> memref<1x1x20x100xi32, #tpu.memory_space<hbm>>
      %dma_start3A_103 = tpu.memref_squeeze %dma_start3A_102 : memref<1x1x20x100xi32, #tpu.memory_space<hbm>> -> memref<20x100xi32, #tpu.memory_space<hbm>>
      tpu.enqueue_dma source(%dma_start3A_103 : memref<20x100xi32, #tpu.memory_space<hbm>>) target(%arg8 : memref<20x100xi32, #tpu.memory_space<vmem>>) target_semaphore(%arg15 : memref<!tpu.dma_semaphore, #tpu.memory_space<semaphore_mem>>)
      %dma_wait3A_104 = arith.constant 0 : i32
      %dma_wait3A_105 = arith.constant 0 : i32
      %dma_wait3A_106 = tpu.memref_slice %arg3[%arg0, %arg1, %scan3A_87, %dma_wait3A_104, %dma_wait3A_105] : memref<2x16x10x20x100xi32, #tpu.memory_space<hbm>> -> memref<1x1x1x20x100xi32, #tpu.memory_space<hbm>>
      %dma_wait3A_107 = tpu.memref_squeeze %dma_wait3A_106 : memref<1x1x1x20x100xi32, #tpu.memory_space<hbm>> -> memref<20x100xi32, #tpu.memory_space<hbm>>
      %dma_wait3A_108 = arith.constant 0 : i32
      %dma_wait3A_109 = arith.constant 0 : i32
      %dma_wait3A_110 = tpu.memref_slice %arg3[%arg0, %arg1, %scan3A_87, %dma_wait3A_108, %dma_wait3A_109] : memref<2x16x10x20x100xi32, #tpu.memory_space<hbm>> -> memref<1x1x1x20x100xi32, #tpu.memory_space<hbm>>
      %dma_wait3A_111 = tpu.memref_squeeze %dma_wait3A_110 : memref<1x1x1x20x100xi32, #tpu.memory_space<hbm>> -> memref<20x100xi32, #tpu.memory_space<hbm>>
      tpu.wait_dma2 semaphore(%arg15 : memref<!tpu.dma_semaphore, #tpu.memory_space<semaphore_mem>>) src(%dma_wait3A_111 : memref<20x100xi32, #tpu.memory_space<hbm>>) dst(%arg7 : memref<20x100xi32, #tpu.memory_space<vmem>>)
      %dma_wait3A_112 = arith.constant 0 : i32
      %dma_wait3A_113 = arith.constant 0 : i32
      %dma_wait3A_114 = tpu.memref_slice %arg4[%arg1, %scan3A_87, %dma_wait3A_112, %dma_wait3A_113] : memref<16x10x20x100xi32, #tpu.memory_space<hbm>> -> memref<1x1x20x100xi32, #tpu.memory_space<hbm>>
      %dma_wait3A_115 = tpu.memref_squeeze %dma_wait3A_114 : memref<1x1x20x100xi32, #tpu.memory_space<hbm>> -> memref<20x100xi32, #tpu.memory_space<hbm>>
      %dma_wait3A_116 = arith.constant 0 : i32
      %dma_wait3A_117 = arith.constant 0 : i32
      %dma_wait3A_118 = tpu.memref_slice %arg4[%arg1, %scan3A_87, %dma_wait3A_116, %dma_wait3A_117] : memref<16x10x20x100xi32, #tpu.memory_space<hbm>> -> memref<1x1x20x100xi32, #tpu.memory_space<hbm>>
      %dma_wait3A_119 = tpu.memref_squeeze %dma_wait3A_118 : memref<1x1x20x100xi32, #tpu.memory_space<hbm>> -> memref<20x100xi32, #tpu.memory_space<hbm>>
      tpu.wait_dma2 semaphore(%arg15 : memref<!tpu.dma_semaphore, #tpu.memory_space<semaphore_mem>>) src(%dma_wait3A_119 : memref<20x100xi32, #tpu.memory_space<hbm>>) dst(%arg8 : memref<20x100xi32, #tpu.memory_space<vmem>>)
      %dma_start3A_120 = arith.constant 0 : i32
      %dma_start3A_121 = arith.constant 0 : i32
      %dma_start3A_122 = tpu.memref_slice %arg7[%dma_start3A_120, %dma_start3A_121] : memref<20x100xi32, #tpu.memory_space<vmem>> -> memref<1x100xi32, #tpu.memory_space<vmem>>
      %dma_start3A_123 = tpu.memref_squeeze %dma_start3A_122 : memref<1x100xi32, #tpu.memory_space<vmem>> -> memref<100xi32, #tpu.memory_space<vmem>>
      %dma_start3A_124 = arith.constant 0 : i32
      %dma_start3A_125 = arith.constant 0 : i32
      %dma_start3A_126 = tpu.memref_slice %arg2[%dma_start3A_124, %dma_start3A_125] : memref<20000x128xf32, #tpu.memory_space<hbm>> -> memref<20000x128xf32, #tpu.memory_space<hbm>>
      tpu.enqueue_indirect_dma source(%dma_start3A_126 : memref<20000x128xf32, #tpu.memory_space<hbm>>) target(%arg9 : memref<100x128xf32, #tpu.memory_space<vmem>>) offsets(%dma_start3A_123 : memref<100xi32, #tpu.memory_space<vmem>>) semaphore(%arg13 : memref<!tpu.dma_semaphore, #tpu.memory_space<semaphore_mem>>)
      %dma_start3A_127 = arith.constant 1 : i32
      %dma_start3A_128 = arith.constant 0 : i32
      %dma_start3A_129 = tpu.memref_slice %arg7[%dma_start3A_127, %dma_start3A_128] : memref<20x100xi32, #tpu.memory_space<vmem>> -> memref<1x100xi32, #tpu.memory_space<vmem>>
      %dma_start3A_130 = tpu.memref_squeeze %dma_start3A_129 : memref<1x100xi32, #tpu.memory_space<vmem>> -> memref<100xi32, #tpu.memory_space<vmem>>
      %dma_start3A_131 = arith.constant 0 : i32
      %dma_start3A_132 = arith.constant 0 : i32
      %dma_start3A_133 = tpu.memref_slice %arg2[%dma_start3A_131, %dma_start3A_132] : memref<20000x128xf32, #tpu.memory_space<hbm>> -> memref<20000x128xf32, #tpu.memory_space<hbm>>
      tpu.enqueue_indirect_dma source(%dma_start3A_133 : memref<20000x128xf32, #tpu.memory_space<hbm>>) target(%arg10 : memref<100x128xf32, #tpu.memory_space<vmem>>) offsets(%dma_start3A_130 : memref<100xi32, #tpu.memory_space<vmem>>) semaphore(%arg14 : memref<!tpu.dma_semaphore, #tpu.memory_space<semaphore_mem>>)
      %scan3A_134 = arith.constant 0 : i32
      %scan3A_135 = arith.constant 0 : i32
      %scan3A_136 = arith.constant 6 : i32
      %scan3A_137 = arith.addi %scan3A_135, %scan3A_136 : i32
      %scan3A_138 = arith.constant 1 : i32
      scf.for %scan3A_156 = %scan3A_135 to %scan3A_137 step %scan3A_138  : i32 {
        %mul3A_157 = arith.constant 3 : i32
        %mul3A_158 = arith.muli %scan3A_156, %mul3A_157 : i32
        %dma_wait3A_159 = arith.constant 0 : i32
        %dma_wait3A_160 = arith.constant 0 : i32
        %dma_wait3A_161 = tpu.memref_slice %arg7[%dma_wait3A_159, %dma_wait3A_160] : memref<20x100xi32, #tpu.memory_space<vmem>> -> memref<1x100xi32, #tpu.memory_space<vmem>>
        %dma_wait3A_162 = tpu.memref_squeeze %dma_wait3A_161 : memref<1x100xi32, #tpu.memory_space<vmem>> -> memref<100xi32, #tpu.memory_space<vmem>>
        %dma_wait3A_163 = arith.constant 0 : i32
        %dma_wait3A_164 = arith.constant 0 : i32
        %dma_wait3A_165 = tpu.memref_slice %arg2[%dma_wait3A_163, %dma_wait3A_164] : memref<20000x128xf32, #tpu.memory_space<hbm>> -> memref<20000x128xf32, #tpu.memory_space<hbm>>
        tpu.wait_indirect_dma semaphore(%arg13 : memref<!tpu.dma_semaphore, #tpu.memory_space<semaphore_mem>>) src(%dma_wait3A_165 : memref<20000x128xf32, #tpu.memory_space<hbm>>) dst(%arg9 : memref<100x128xf32, #tpu.memory_space<vmem>>)
        %add3A = arith.constant 0 : i32
        %add3A_166 = arith.addi %mul3A_158, %add3A : i32
        %add3A_167 = arith.constant 2 : i32
        %add3A_168 = arith.addi %add3A_166, %add3A_167 : i32
        %dma_start3A_169 = arith.constant 0 : i32
        %dma_start3A_170 = tpu.memref_slice %arg7[%add3A_168, %dma_start3A_169] : memref<20x100xi32, #tpu.memory_space<vmem>> -> memref<1x100xi32, #tpu.memory_space<vmem>>
        %dma_start3A_171 = tpu.memref_squeeze %dma_start3A_170 : memref<1x100xi32, #tpu.memory_space<vmem>> -> memref<100xi32, #tpu.memory_space<vmem>>
        %dma_start3A_172 = arith.constant 0 : i32
        %dma_start3A_173 = arith.constant 0 : i32
        %dma_start3A_174 = tpu.memref_slice %arg2[%dma_start3A_172, %dma_start3A_173] : memref<20000x128xf32, #tpu.memory_space<hbm>> -> memref<20000x128xf32, #tpu.memory_space<hbm>>
        tpu.enqueue_indirect_dma source(%dma_start3A_174 : memref<20000x128xf32, #tpu.memory_space<hbm>>) target(%arg11 : memref<100x128xf32, #tpu.memory_space<vmem>>) offsets(%dma_start3A_171 : memref<100xi32, #tpu.memory_space<vmem>>) semaphore(%arg15 : memref<!tpu.dma_semaphore, #tpu.memory_space<semaphore_mem>>)
        %add3A_175 = arith.constant 0 : i32
        %add3A_176 = arith.addi %mul3A_158, %add3A_175 : i32
        "tpu.region"() ({
          %run_scoped3A_215 = tpu.sem_alloc : memref<!tpu.dma_semaphore, #tpu.memory_space<semaphore_mem>>
          %dma_start3A_216 = arith.constant 0 : i32
          %dma_start3A_217 = tpu.memref_slice %arg8[%add3A_176, %dma_start3A_216] : memref<20x100xi32, #tpu.memory_space<vmem>> -> memref<1x100xi32, #tpu.memory_space<vmem>>
          %dma_start3A_218 = tpu.memref_squeeze %dma_start3A_217 : memref<1x100xi32, #tpu.memory_space<vmem>> -> memref<100xi32, #tpu.memory_space<vmem>>
          %dma_start3A_219 = arith.constant 0 : i32
          %dma_start3A_220 = arith.constant 0 : i32
          %dma_start3A_221 = tpu.memref_slice %arg12[%dma_start3A_219, %dma_start3A_220] : memref<10000x128xf32, #tpu.memory_space<vmem_shared>> -> memref<10000x128xf32, #tpu.memory_space<vmem_shared>>
          tpu.enqueue_indirect_dma source(%arg9 : memref<100x128xf32, #tpu.memory_space<vmem>>) target(%dma_start3A_221 : memref<10000x128xf32, #tpu.memory_space<vmem_shared>>) offsets(%dma_start3A_218 : memref<100xi32, #tpu.memory_space<vmem>>) semaphore(%run_scoped3A_215 : memref<!tpu.dma_semaphore, #tpu.memory_space<semaphore_mem>>) {add = true}
          %dma_wait3A_222 = arith.constant 0 : i32
          %dma_wait3A_223 = tpu.memref_slice %arg8[%add3A_176, %dma_wait3A_222] : memref<20x100xi32, #tpu.memory_space<vmem>> -> memref<1x100xi32, #tpu.memory_space<vmem>>
          %dma_wait3A_224 = tpu.memref_squeeze %dma_wait3A_223 : memref<1x100xi32, #tpu.memory_space<vmem>> -> memref<100xi32, #tpu.memory_space<vmem>>
          %dma_wait3A_225 = arith.constant 0 : i32
          %dma_wait3A_226 = arith.constant 0 : i32
          %dma_wait3A_227 = tpu.memref_slice %arg12[%dma_wait3A_225, %dma_wait3A_226] : memref<10000x128xf32, #tpu.memory_space<vmem_shared>> -> memref<10000x128xf32, #tpu.memory_space<vmem_shared>>
          tpu.wait_indirect_dma semaphore(%run_scoped3A_215 : memref<!tpu.dma_semaphore, #tpu.memory_space<semaphore_mem>>) src(%arg9 : memref<100x128xf32, #tpu.memory_space<vmem>>) dst(%dma_wait3A_227 : memref<10000x128xf32, #tpu.memory_space<vmem_shared>>)
          tpu.yield
        }) : () -> ()
        %dma_wait3A_177 = arith.constant 0 : i32
        %dma_wait3A_178 = arith.constant 0 : i32
        %dma_wait3A_179 = tpu.memref_slice %arg7[%dma_wait3A_177, %dma_wait3A_178] : memref<20x100xi32, #tpu.memory_space<vmem>> -> memref<1x100xi32, #tpu.memory_space<vmem>>
        %dma_wait3A_180 = tpu.memref_squeeze %dma_wait3A_179 : memref<1x100xi32, #tpu.memory_space<vmem>> -> memref<100xi32, #tpu.memory_space<vmem>>
        %dma_wait3A_181 = arith.constant 0 : i32
        %dma_wait3A_182 = arith.constant 0 : i32
        %dma_wait3A_183 = tpu.memref_slice %arg2[%dma_wait3A_181, %dma_wait3A_182] : memref<20000x128xf32, #tpu.memory_space<hbm>> -> memref<20000x128xf32, #tpu.memory_space<hbm>>
        tpu.wait_indirect_dma semaphore(%arg14 : memref<!tpu.dma_semaphore, #tpu.memory_space<semaphore_mem>>) src(%dma_wait3A_183 : memref<20000x128xf32, #tpu.memory_space<hbm>>) dst(%arg10 : memref<100x128xf32, #tpu.memory_space<vmem>>)
        %add3A_184 = arith.constant 1 : i32
        %add3A_185 = arith.addi %mul3A_158, %add3A_184 : i32
        %add3A_186 = arith.constant 2 : i32
        %add3A_187 = arith.addi %add3A_185, %add3A_186 : i32
        %dma_start3A_188 = arith.constant 0 : i32
        %dma_start3A_189 = tpu.memref_slice %arg7[%add3A_187, %dma_start3A_188] : memref<20x100xi32, #tpu.memory_space<vmem>> -> memref<1x100xi32, #tpu.memory_space<vmem>>
        %dma_start3A_190 = tpu.memref_squeeze %dma_start3A_189 : memref<1x100xi32, #tpu.memory_space<vmem>> -> memref<100xi32, #tpu.memory_space<vmem>>
        %dma_start3A_191 = arith.constant 0 : i32
        %dma_start3A_192 = arith.constant 0 : i32
        %dma_start3A_193 = tpu.memref_slice %arg2[%dma_start3A_191, %dma_start3A_192] : memref<20000x128xf32, #tpu.memory_space<hbm>> -> memref<20000x128xf32, #tpu.memory_space<hbm>>
        tpu.enqueue_indirect_dma source(%dma_start3A_193 : memref<20000x128xf32, #tpu.memory_space<hbm>>) target(%arg9 : memref<100x128xf32, #tpu.memory_space<vmem>>) offsets(%dma_start3A_190 : memref<100xi32, #tpu.memory_space<vmem>>) semaphore(%arg13 : memref<!tpu.dma_semaphore, #tpu.memory_space<semaphore_mem>>)
        %add3A_194 = arith.constant 1 : i32
        %add3A_195 = arith.addi %mul3A_158, %add3A_194 : i32
        "tpu.region"() ({
          %run_scoped3A_215 = tpu.sem_alloc : memref<!tpu.dma_semaphore, #tpu.memory_space<semaphore_mem>>
          %dma_start3A_216 = arith.constant 0 : i32
          %dma_start3A_217 = tpu.memref_slice %arg8[%add3A_195, %dma_start3A_216] : memref<20x100xi32, #tpu.memory_space<vmem>> -> memref<1x100xi32, #tpu.memory_space<vmem>>
          %dma_start3A_218 = tpu.memref_squeeze %dma_start3A_217 : memref<1x100xi32, #tpu.memory_space<vmem>> -> memref<100xi32, #tpu.memory_space<vmem>>
          %dma_start3A_219 = arith.constant 0 : i32
          %dma_start3A_220 = arith.constant 0 : i32
          %dma_start3A_221 = tpu.memref_slice %arg12[%dma_start3A_219, %dma_start3A_220] : memref<10000x128xf32, #tpu.memory_space<vmem_shared>> -> memref<10000x128xf32, #tpu.memory_space<vmem_shared>>
          tpu.enqueue_indirect_dma source(%arg10 : memref<100x128xf32, #tpu.memory_space<vmem>>) target(%dma_start3A_221 : memref<10000x128xf32, #tpu.memory_space<vmem_shared>>) offsets(%dma_start3A_218 : memref<100xi32, #tpu.memory_space<vmem>>) semaphore(%run_scoped3A_215 : memref<!tpu.dma_semaphore, #tpu.memory_space<semaphore_mem>>) {add = true}
          %dma_wait3A_222 = arith.constant 0 : i32
          %dma_wait3A_223 = tpu.memref_slice %arg8[%add3A_195, %dma_wait3A_222] : memref<20x100xi32, #tpu.memory_space<vmem>> -> memref<1x100xi32, #tpu.memory_space<vmem>>
          %dma_wait3A_224 = tpu.memref_squeeze %dma_wait3A_223 : memref<1x100xi32, #tpu.memory_space<vmem>> -> memref<100xi32, #tpu.memory_space<vmem>>
          %dma_wait3A_225 = arith.constant 0 : i32
          %dma_wait3A_226 = arith.constant 0 : i32
          %dma_wait3A_227 = tpu.memref_slice %arg12[%dma_wait3A_225, %dma_wait3A_226] : memref<10000x128xf32, #tpu.memory_space<vmem_shared>> -> memref<10000x128xf32, #tpu.memory_space<vmem_shared>>
          tpu.wait_indirect_dma semaphore(%run_scoped3A_215 : memref<!tpu.dma_semaphore, #tpu.memory_space<semaphore_mem>>) src(%arg10 : memref<100x128xf32, #tpu.memory_space<vmem>>) dst(%dma_wait3A_227 : memref<10000x128xf32, #tpu.memory_space<vmem_shared>>)
          tpu.yield
        }) : () -> ()
        %dma_wait3A_196 = arith.constant 0 : i32
        %dma_wait3A_197 = arith.constant 0 : i32
        %dma_wait3A_198 = tpu.memref_slice %arg7[%dma_wait3A_196, %dma_wait3A_197] : memref<20x100xi32, #tpu.memory_space<vmem>> -> memref<1x100xi32, #tpu.memory_space<vmem>>
        %dma_wait3A_199 = tpu.memref_squeeze %dma_wait3A_198 : memref<1x100xi32, #tpu.memory_space<vmem>> -> memref<100xi32, #tpu.memory_space<vmem>>
        %dma_wait3A_200 = arith.constant 0 : i32
        %dma_wait3A_201 = arith.constant 0 : i32
        %dma_wait3A_202 = tpu.memref_slice %arg2[%dma_wait3A_200, %dma_wait3A_201] : memref<20000x128xf32, #tpu.memory_space<hbm>> -> memref<20000x128xf32, #tpu.memory_space<hbm>>
        tpu.wait_indirect_dma semaphore(%arg15 : memref<!tpu.dma_semaphore, #tpu.memory_space<semaphore_mem>>) src(%dma_wait3A_202 : memref<20000x128xf32, #tpu.memory_space<hbm>>) dst(%arg11 : memref<100x128xf32, #tpu.memory_space<vmem>>)
        %add3A_203 = arith.constant 2 : i32
        %add3A_204 = arith.addi %mul3A_158, %add3A_203 : i32
        %add3A_205 = arith.constant 2 : i32
        %add3A_206 = arith.addi %add3A_204, %add3A_205 : i32
        %dma_start3A_207 = arith.constant 0 : i32
        %dma_start3A_208 = tpu.memref_slice %arg7[%add3A_206, %dma_start3A_207] : memref<20x100xi32, #tpu.memory_space<vmem>> -> memref<1x100xi32, #tpu.memory_space<vmem>>
        %dma_start3A_209 = tpu.memref_squeeze %dma_start3A_208 : memref<1x100xi32, #tpu.memory_space<vmem>> -> memref<100xi32, #tpu.memory_space<vmem>>
        %dma_start3A_210 = arith.constant 0 : i32
        %dma_start3A_211 = arith.constant 0 : i32
        %dma_start3A_212 = tpu.memref_slice %arg2[%dma_start3A_210, %dma_start3A_211] : memref<20000x128xf32, #tpu.memory_space<hbm>> -> memref<20000x128xf32, #tpu.memory_space<hbm>>
        tpu.enqueue_indirect_dma source(%dma_start3A_212 : memref<20000x128xf32, #tpu.memory_space<hbm>>) target(%arg10 : memref<100x128xf32, #tpu.memory_space<vmem>>) offsets(%dma_start3A_209 : memref<100xi32, #tpu.memory_space<vmem>>) semaphore(%arg14 : memref<!tpu.dma_semaphore, #tpu.memory_space<semaphore_mem>>)
        %add3A_213 = arith.constant 2 : i32
        %add3A_214 = arith.addi %mul3A_158, %add3A_213 : i32
        "tpu.region"() ({
          %run_scoped3A_215 = tpu.sem_alloc : memref<!tpu.dma_semaphore, #tpu.memory_space<semaphore_mem>>
          %dma_start3A_216 = arith.constant 0 : i32
          %dma_start3A_217 = tpu.memref_slice %arg8[%add3A_214, %dma_start3A_216] : memref<20x100xi32, #tpu.memory_space<vmem>> -> memref<1x100xi32, #tpu.memory_space<vmem>>
          %dma_start3A_218 = tpu.memref_squeeze %dma_start3A_217 : memref<1x100xi32, #tpu.memory_space<vmem>> -> memref<100xi32, #tpu.memory_space<vmem>>
          %dma_start3A_219 = arith.constant 0 : i32
          %dma_start3A_220 = arith.constant 0 : i32
          %dma_start3A_221 = tpu.memref_slice %arg12[%dma_start3A_219, %dma_start3A_220] : memref<10000x128xf32, #tpu.memory_space<vmem_shared>> -> memref<10000x128xf32, #tpu.memory_space<vmem_shared>>
          tpu.enqueue_indirect_dma source(%arg11 : memref<100x128xf32, #tpu.memory_space<vmem>>) target(%dma_start3A_221 : memref<10000x128xf32, #tpu.memory_space<vmem_shared>>) offsets(%dma_start3A_218 : memref<100xi32, #tpu.memory_space<vmem>>) semaphore(%run_scoped3A_215 : memref<!tpu.dma_semaphore, #tpu.memory_space<semaphore_mem>>) {add = true}
          %dma_wait3A_222 = arith.constant 0 : i32
          %dma_wait3A_223 = tpu.memref_slice %arg8[%add3A_214, %dma_wait3A_222] : memref<20x100xi32, #tpu.memory_space<vmem>> -> memref<1x100xi32, #tpu.memory_space<vmem>>
          %dma_wait3A_224 = tpu.memref_squeeze %dma_wait3A_223 : memref<1x100xi32, #tpu.memory_space<vmem>> -> memref<100xi32, #tpu.memory_space<vmem>>
          %dma_wait3A_225 = arith.constant 0 : i32
          %dma_wait3A_226 = arith.constant 0 : i32
          %dma_wait3A_227 = tpu.memref_slice %arg12[%dma_wait3A_225, %dma_wait3A_226] : memref<10000x128xf32, #tpu.memory_space<vmem_shared>> -> memref<10000x128xf32, #tpu.memory_space<vmem_shared>>
          tpu.wait_indirect_dma semaphore(%run_scoped3A_215 : memref<!tpu.dma_semaphore, #tpu.memory_space<semaphore_mem>>) src(%arg11 : memref<100x128xf32, #tpu.memory_space<vmem>>) dst(%dma_wait3A_227 : memref<10000x128xf32, #tpu.memory_space<vmem_shared>>)
          tpu.yield
        }) : () -> ()
      }
      %scan3A_139 = arith.constant 6 : i32
      %dma_wait3A_140 = arith.constant 0 : i32
      %dma_wait3A_141 = arith.constant 0 : i32
      %dma_wait3A_142 = tpu.memref_slice %arg7[%dma_wait3A_140, %dma_wait3A_141] : memref<20x100xi32, #tpu.memory_space<vmem>> -> memref<1x100xi32, #tpu.memory_space<vmem>>
      %dma_wait3A_143 = tpu.memref_squeeze %dma_wait3A_142 : memref<1x100xi32, #tpu.memory_space<vmem>> -> memref<100xi32, #tpu.memory_space<vmem>>
      %dma_wait3A_144 = arith.constant 0 : i32
      %dma_wait3A_145 = arith.constant 0 : i32
      %dma_wait3A_146 = tpu.memref_slice %arg2[%dma_wait3A_144, %dma_wait3A_145] : memref<20000x128xf32, #tpu.memory_space<hbm>> -> memref<20000x128xf32, #tpu.memory_space<hbm>>
      tpu.wait_indirect_dma semaphore(%arg13 : memref<!tpu.dma_semaphore, #tpu.memory_space<semaphore_mem>>) src(%dma_wait3A_146 : memref<20000x128xf32, #tpu.memory_space<hbm>>) dst(%arg9 : memref<100x128xf32, #tpu.memory_space<vmem>>)
      %run_scoped3A_147 = arith.constant 18 : i32
      "tpu.region"() ({
        %run_scoped3A_156 = tpu.sem_alloc : memref<!tpu.dma_semaphore, #tpu.memory_space<semaphore_mem>>
        %dma_start3A_157 = arith.constant 0 : i32
        %dma_start3A_158 = tpu.memref_slice %arg8[%run_scoped3A_147, %dma_start3A_157] : memref<20x100xi32, #tpu.memory_space<vmem>> -> memref<1x100xi32, #tpu.memory_space<vmem>>
        %dma_start3A_159 = tpu.memref_squeeze %dma_start3A_158 : memref<1x100xi32, #tpu.memory_space<vmem>> -> memref<100xi32, #tpu.memory_space<vmem>>
        %dma_start3A_160 = arith.constant 0 : i32
        %dma_start3A_161 = arith.constant 0 : i32
        %dma_start3A_162 = tpu.memref_slice %arg12[%dma_start3A_160, %dma_start3A_161] : memref<10000x128xf32, #tpu.memory_space<vmem_shared>> -> memref<10000x128xf32, #tpu.memory_space<vmem_shared>>
        tpu.enqueue_indirect_dma source(%arg9 : memref<100x128xf32, #tpu.memory_space<vmem>>) target(%dma_start3A_162 : memref<10000x128xf32, #tpu.memory_space<vmem_shared>>) offsets(%dma_start3A_159 : memref<100xi32, #tpu.memory_space<vmem>>) semaphore(%run_scoped3A_156 : memref<!tpu.dma_semaphore, #tpu.memory_space<semaphore_mem>>) {add = true}
        %dma_wait3A_163 = arith.constant 0 : i32
        %dma_wait3A_164 = tpu.memref_slice %arg8[%run_scoped3A_147, %dma_wait3A_163] : memref<20x100xi32, #tpu.memory_space<vmem>> -> memref<1x100xi32, #tpu.memory_space<vmem>>
        %dma_wait3A_165 = tpu.memref_squeeze %dma_wait3A_164 : memref<1x100xi32, #tpu.memory_space<vmem>> -> memref<100xi32, #tpu.memory_space<vmem>>
        %dma_wait3A_166 = arith.constant 0 : i32
        %dma_wait3A_167 = arith.constant 0 : i32
        %dma_wait3A_168 = tpu.memref_slice %arg12[%dma_wait3A_166, %dma_wait3A_167] : memref<10000x128xf32, #tpu.memory_space<vmem_shared>> -> memref<10000x128xf32, #tpu.memory_space<vmem_shared>>
        tpu.wait_indirect_dma semaphore(%run_scoped3A_156 : memref<!tpu.dma_semaphore, #tpu.memory_space<semaphore_mem>>) src(%arg9 : memref<100x128xf32, #tpu.memory_space<vmem>>) dst(%dma_wait3A_168 : memref<10000x128xf32, #tpu.memory_space<vmem_shared>>)
        tpu.yield
      }) : () -> ()
      %dma_wait3A_148 = arith.constant 0 : i32
      %dma_wait3A_149 = arith.constant 0 : i32
      %dma_wait3A_150 = tpu.memref_slice %arg7[%dma_wait3A_148, %dma_wait3A_149] : memref<20x100xi32, #tpu.memory_space<vmem>> -> memref<1x100xi32, #tpu.memory_space<vmem>>
      %dma_wait3A_151 = tpu.memref_squeeze %dma_wait3A_150 : memref<1x100xi32, #tpu.memory_space<vmem>> -> memref<100xi32, #tpu.memory_space<vmem>>
      %dma_wait3A_152 = arith.constant 0 : i32
      %dma_wait3A_153 = arith.constant 0 : i32
      %dma_wait3A_154 = tpu.memref_slice %arg2[%dma_wait3A_152, %dma_wait3A_153] : memref<20000x128xf32, #tpu.memory_space<hbm>> -> memref<20000x128xf32, #tpu.memory_space<hbm>>
      tpu.wait_indirect_dma semaphore(%arg14 : memref<!tpu.dma_semaphore, #tpu.memory_space<semaphore_mem>>) src(%dma_wait3A_154 : memref<20000x128xf32, #tpu.memory_space<hbm>>) dst(%arg10 : memref<100x128xf32, #tpu.memory_space<vmem>>)
      %run_scoped3A_155 = arith.constant 19 : i32
      "tpu.region"() ({
        %run_scoped3A_156 = tpu.sem_alloc : memref<!tpu.dma_semaphore, #tpu.memory_space<semaphore_mem>>
        %dma_start3A_157 = arith.constant 0 : i32
        %dma_start3A_158 = tpu.memref_slice %arg8[%run_scoped3A_155, %dma_start3A_157] : memref<20x100xi32, #tpu.memory_space<vmem>> -> memref<1x100xi32, #tpu.memory_space<vmem>>
        %dma_start3A_159 = tpu.memref_squeeze %dma_start3A_158 : memref<1x100xi32, #tpu.memory_space<vmem>> -> memref<100xi32, #tpu.memory_space<vmem>>
        %dma_start3A_160 = arith.constant 0 : i32
        %dma_start3A_161 = arith.constant 0 : i32
        %dma_start3A_162 = tpu.memref_slice %arg12[%dma_start3A_160, %dma_start3A_161] : memref<10000x128xf32, #tpu.memory_space<vmem_shared>> -> memref<10000x128xf32, #tpu.memory_space<vmem_shared>>
        tpu.enqueue_indirect_dma source(%arg10 : memref<100x128xf32, #tpu.memory_space<vmem>>) target(%dma_start3A_162 : memref<10000x128xf32, #tpu.memory_space<vmem_shared>>) offsets(%dma_start3A_159 : memref<100xi32, #tpu.memory_space<vmem>>) semaphore(%run_scoped3A_156 : memref<!tpu.dma_semaphore, #tpu.memory_space<semaphore_mem>>) {add = true}
        %dma_wait3A_163 = arith.constant 0 : i32
        %dma_wait3A_164 = tpu.memref_slice %arg8[%run_scoped3A_155, %dma_wait3A_163] : memref<20x100xi32, #tpu.memory_space<vmem>> -> memref<1x100xi32, #tpu.memory_space<vmem>>
        %dma_wait3A_165 = tpu.memref_squeeze %dma_wait3A_164 : memref<1x100xi32, #tpu.memory_space<vmem>> -> memref<100xi32, #tpu.memory_space<vmem>>
        %dma_wait3A_166 = arith.constant 0 : i32
        %dma_wait3A_167 = arith.constant 0 : i32
        %dma_wait3A_168 = tpu.memref_slice %arg12[%dma_wait3A_166, %dma_wait3A_167] : memref<10000x128xf32, #tpu.memory_space<vmem_shared>> -> memref<10000x128xf32, #tpu.memory_space<vmem_shared>>
        tpu.wait_indirect_dma semaphore(%run_scoped3A_156 : memref<!tpu.dma_semaphore, #tpu.memory_space<semaphore_mem>>) src(%arg10 : memref<100x128xf32, #tpu.memory_space<vmem>>) dst(%dma_wait3A_168 : memref<10000x128xf32, #tpu.memory_space<vmem_shared>>)
        tpu.yield
      }) : () -> ()
    }
    %scan3A_76 = arith.constant 9 : i32
    %barrier3A_77 = arith.constant 0 : index
    tpu.barrier barrier_id(%barrier3A_77)
    %mul3A_78 = arith.constant 624 : i32
    %mul3A_79 = arith.muli %arg1, %mul3A_78 : i32
    %mul3A_80 = arith.constant 128 : i32
    %mul3A_81 = arith.muli %arg0, %mul3A_80 : i32
    "tpu.region"() ({
      %run_scoped3A_87 = tpu.sem_alloc : memref<!tpu.dma_semaphore, #tpu.memory_space<semaphore_mem>>
      %dma_start3A_88 = tpu.memref_slice %arg6[%mul3A_79, %mul3A_81] : memref<10000x256xf32, #tpu.memory_space<hbm>> -> memref<624x128xf32, #tpu.memory_space<hbm>>
      %dma_start3A_89 = arith.constant 0 : i32
      %dma_start3A_90 = tpu.memref_slice %arg12[%mul3A_79, %dma_start3A_89] : memref<10000x128xf32, #tpu.memory_space<vmem_shared>> -> memref<624x128xf32, #tpu.memory_space<vmem_shared>>
      tpu.enqueue_dma source(%dma_start3A_90 : memref<624x128xf32, #tpu.memory_space<vmem_shared>>) target(%dma_start3A_88 : memref<624x128xf32, #tpu.memory_space<hbm>>) target_semaphore(%run_scoped3A_87 : memref<!tpu.dma_semaphore, #tpu.memory_space<semaphore_mem>>)
      %dma_wait3A_91 = tpu.memref_slice %arg6[%mul3A_79, %mul3A_81] : memref<10000x256xf32, #tpu.memory_space<hbm>> -> memref<624x128xf32, #tpu.memory_space<hbm>>
      %dma_wait3A_92 = arith.constant 0 : i32
      %dma_wait3A_93 = tpu.memref_slice %arg12[%mul3A_79, %dma_wait3A_92] : memref<10000x128xf32, #tpu.memory_space<vmem_shared>> -> memref<624x128xf32, #tpu.memory_space<vmem_shared>>
      tpu.wait_dma2 semaphore(%run_scoped3A_87 : memref<!tpu.dma_semaphore, #tpu.memory_space<semaphore_mem>>) src(%dma_wait3A_93 : memref<624x128xf32, #tpu.memory_space<vmem_shared>>) dst(%dma_wait3A_91 : memref<624x128xf32, #tpu.memory_space<hbm>>)
      tpu.yield
    }) : () -> ()
    %eq3A_82 = arith.constant 0 : i32
    %eq3A_83 = arith.cmpi eq, %arg1, %eq3A_82 : i32
    %convert_element_type3A_84 = arith.extui %eq3A_83 : i1 to i32
    %cond3A_85 = arith.constant 0 : i32
    %cond3A_86 = arith.cmpi ne, %convert_element_type3A_84, %cond3A_85 : i32
    scf.if %cond3A_86 {
      %mul3A_87 = arith.constant 128 : i32
      %mul3A_88 = arith.muli %arg0, %mul3A_87 : i32
      "tpu.region"() ({
        %run_scoped3A_89 = tpu.sem_alloc : memref<!tpu.dma_semaphore, #tpu.memory_space<semaphore_mem>>
        %dma_start3A_90 = arith.constant 9984 : i32
        %dma_start3A_91 = tpu.memref_slice %arg6[%dma_start3A_90, %mul3A_88] : memref<10000x256xf32, #tpu.memory_space<hbm>> -> memref<16x128xf32, #tpu.memory_space<hbm>>
        %dma_start3A_92 = arith.constant 9984 : i32
        %dma_start3A_93 = arith.constant 0 : i32
        %dma_start3A_94 = tpu.memref_slice %arg12[%dma_start3A_92, %dma_start3A_93] : memref<10000x128xf32, #tpu.memory_space<vmem_shared>> -> memref<16x128xf32, #tpu.memory_space<vmem_shared>>
        tpu.enqueue_dma source(%dma_start3A_94 : memref<16x128xf32, #tpu.memory_space<vmem_shared>>) target(%dma_start3A_91 : memref<16x128xf32, #tpu.memory_space<hbm>>) target_semaphore(%run_scoped3A_89 : memref<!tpu.dma_semaphore, #tpu.memory_space<semaphore_mem>>)
        %dma_wait3A_95 = arith.constant 9984 : i32
        %dma_wait3A_96 = tpu.memref_slice %arg6[%dma_wait3A_95, %mul3A_88] : memref<10000x256xf32, #tpu.memory_space<hbm>> -> memref<16x128xf32, #tpu.memory_space<hbm>>
        %dma_wait3A_97 = arith.constant 9984 : i32
        %dma_wait3A_98 = arith.constant 0 : i32
        %dma_wait3A_99 = tpu.memref_slice %arg12[%dma_wait3A_97, %dma_wait3A_98] : memref<10000x128xf32, #tpu.memory_space<vmem_shared>> -> memref<16x128xf32, #tpu.memory_space<vmem_shared>>
        tpu.wait_dma2 semaphore(%run_scoped3A_89 : memref<!tpu.dma_semaphore, #tpu.memory_space<semaphore_mem>>) src(%dma_wait3A_99 : memref<16x128xf32, #tpu.memory_space<vmem_shared>>) dst(%dma_wait3A_96 : memref<16x128xf32, #tpu.memory_space<hbm>>)
        tpu.yield
      }) : () -> ()
    } else {
    }
    return
  }
}

module attributes {stable_mosaic.version = 14 : i64} {
  func.func @_mm_body(%arg0: i32, %arg1: i32, %arg2: memref<1000x128xf32, #tpu.memory_space<vmem>>, %arg3: memref<128x256xf32, #tpu.memory_space<vmem>>, %arg4: memref<1x256xf32, #tpu.memory_space<vmem>>, %arg5: memref<256x128xf32, #tpu.memory_space<vmem>>, %arg6: memref<1x1x128xf32, #tpu.memory_space<vmem>>, %arg7: memref<1000x128xf32, #tpu.memory_space<vmem>>) attributes {dimension_semantics = [#tpu.dimension_semantics<arbitrary>, #tpu.dimension_semantics<arbitrary>], iteration_bounds = array<i64: 2, 10>, scalar_prefetch = 0 : i64, scratch_operands = 0 : i64, tpu.core_type = #tpu.core_type<tc>, window_params = [{transform_indices = @transform_0, window_bounds = array<i64: 1000, 128>}, {pipeline_mode = #tpu.pipeline_mode<synchronous>, transform_indices = @transform_1, window_bounds = array<i64: 128, 256>}, {pipeline_mode = #tpu.pipeline_mode<synchronous>, transform_indices = @transform_2, window_bounds = array<i64: 1, 256>}, {transform_indices = @transform_3, window_bounds = array<i64: 256, 128>}, {transform_indices = @transform_4, window_bounds = array<i64: 1, 1, 128>}, {transform_indices = @transform_5, window_bounds = array<i64: 1000, 128>}]} {
    %get3A = arith.constant 0 : index
    %get3A_0 = arith.constant 0 : index
    %get3A_1 = vector.load %arg2[%get3A, %get3A_0] : memref<1000x128xf32, #tpu.memory_space<vmem>>, vector<1000x128xf32>
    %get3A_2 = arith.constant 0 : index
    %get3A_3 = arith.constant 0 : index
    %get3A_4 = vector.load %arg3[%get3A_2, %get3A_3] : memref<128x256xf32, #tpu.memory_space<vmem>>, vector<128x256xf32>
    %dot_general3A = arith.constant dense<0.000000e+00> : vector<1000x256xf32>
    %dot_general3A_5 = tpu.matmul %get3A_1, %get3A_4, %dot_general3A {dimension_numbers = #tpu.dot_dimension_numbers<[1], [0], [0], [1], [0, 0, 1, 1], [], []>, transpose_lhs_hint = false} : vector<1000x128xf32>, vector<128x256xf32>, vector<1000x256xf32> -> vector<1000x256xf32>
    %get3A_6 = arith.constant 0 : index
    %get3A_7 = arith.constant 0 : index
    %get3A_8 = vector.load %arg4[%get3A_6, %get3A_7] : memref<1x256xf32, #tpu.memory_space<vmem>>, vector<1x256xf32>
    %add3A = vector.broadcast %get3A_8 : vector<1x256xf32> to vector<1000x256xf32>
    %add3A_9 = arith.addf %dot_general3A_5, %add3A : vector<1000x256xf32>
    %tanh3A = math.tanh %add3A_9 : vector<1000x256xf32>
    %get3A_10 = arith.constant 0 : index
    %get3A_11 = arith.constant 0 : index
    %get3A_12 = vector.load %arg5[%get3A_10, %get3A_11] : memref<256x128xf32, #tpu.memory_space<vmem>>, vector<256x128xf32>
    %dot_general3A_13 = arith.constant dense<0.000000e+00> : vector<1000x128xf32>
    %dot_general3A_14 = tpu.matmul %tanh3A, %get3A_12, %dot_general3A_13 {dimension_numbers = #tpu.dot_dimension_numbers<[1], [0], [0], [1], [0, 0, 1, 1], [], []>, transpose_lhs_hint = false} : vector<1000x256xf32>, vector<256x128xf32>, vector<1000x128xf32> -> vector<1000x128xf32>
    %get3A_15 = arith.constant 0 : index
    %get3A_16 = arith.constant 0 : index
    %get3A_17 = arith.constant 0 : index
    %get3A_18 = vector.load %arg6[%get3A_15, %get3A_16, %get3A_17] : memref<1x1x128xf32, #tpu.memory_space<vmem>>, vector<1x1x128xf32>
    %get3A_19 = vector.shape_cast %get3A_18 : vector<1x1x128xf32> to vector<1x128xf32>
    %add3A_20 = vector.broadcast %get3A_19 : vector<1x128xf32> to vector<1000x128xf32>
    %add3A_21 = arith.addf %dot_general3A_14, %add3A_20 : vector<1000x128xf32>
    %max3A = arith.constant 0.000000e+00 : f32
    %max3A_22 = vector.broadcast %max3A : f32 to vector<1000x128xf32>
    %max3A_23 = arith.maximumf %add3A_21, %max3A_22 : vector<1000x128xf32>
    %swap3A = arith.constant 0 : index
    %swap3A_24 = arith.constant 0 : index
    %swap3A_25 = vector.load %arg7[%swap3A, %swap3A_24] : memref<1000x128xf32, #tpu.memory_space<vmem>>, vector<1000x128xf32>
    tpu.vector_store %arg7[%swap3A, %swap3A_24], %max3A_23 {strides = array<i32>} : memref<1000x128xf32, #tpu.memory_space<vmem>>, vector<1000x128xf32>,
    return
  }
  func.func @transform_0(%arg0: i32, %arg1: i32) -> (i32, i32) {
    %c0_i32 = arith.constant 0 : i32
    %c0_i32_0 = arith.constant 0 : i32
    return %arg1, %c0_i32 : i32, i32
  }
  func.func @transform_1(%arg0: i32, %arg1: i32) -> (i32, i32) {
    %c0_i32 = arith.constant 0 : i32
    %c0_i32_0 = arith.constant 0 : i32
    %c0_i32_1 = arith.constant 0 : i32
    return %c0_i32, %c0_i32_0 : i32, i32
  }
  func.func @transform_2(%arg0: i32, %arg1: i32) -> (i32, i32) {
    %c0_i32 = arith.constant 0 : i32
    %c0_i32_0 = arith.constant 0 : i32
    %c0_i32_1 = arith.constant 0 : i32
    return %c0_i32, %c0_i32_0 : i32, i32
  }
  func.func @transform_3(%arg0: i32, %arg1: i32) -> (i32, i32) {
    %c0_i32 = arith.constant 0 : i32
    %c0_i32_0 = arith.constant 0 : i32
    return %c0_i32, %arg0 : i32, i32
  }
  func.func @transform_4(%arg0: i32, %arg1: i32) -> (i32, i32, i32) {
    %c0_i32 = arith.constant 0 : i32
    %c0_i32_0 = arith.constant 0 : i32
    %c0_i32_1 = arith.constant 0 : i32
    return %arg0, %c0_i32, %c0_i32_0 : i32, i32, i32
  }
  func.func @transform_5(%arg0: i32, %arg1: i32) -> (i32, i32) {
    %mul3A = arith.constant 10 : i32
    %mul3A_0 = arith.muli %arg0, %mul3A : i32
    %add3A = arith.addi %mul3A_0, %arg1 : i32
    %c0_i32 = arith.constant 0 : i32
    %c0_i32_1 = arith.constant 0 : i32
    return %add3A, %c0_i32 : i32, i32
  }
}

</mosaic_0001>

<sc_bundles>
// kernel: kernel.4.cloned.1.call-start
scs
__scs_entry_jumppad:
0x0: {  	(pc) =	sbr.rel $0x88, $3  }
0x1: {  	(tag) =	ssettag $0x0;
	lr =	simm.s32 $0x1  }
0x2: {  	[smem:$0x3F9B] =	sst lr;
	_ =	strace $0xD0000000  }
0x3: {  	_ = 	snop  }
0x4: {  	_ = 	snop  }
0x5: {  	_ = 	snop  }
0x6: {  	_ = 	snop  }
0x7: {  	_ = 	snop  }
__scs_overlays_trampoline_lowered:
0x8: {  	[smem:$0x3FAA] =	sst s0  }
0x9: {  	[smem:$0x3FAB] =	sst s1  }
0xa: {  	[smem:$0x3FAC] =	sst s2  }
0xb: {  	[smem:$0x3FAD] =	sst s3  }
0xc: {  	[smem:$0x3FAE] =	sst s4  }
0xd: {  	[smem:$0x3FAF] =	sst s5  }
0xe: {  	[smem:$0x3FB0] =	sst s6  }
0xf: {  	[smem:$0x3FB1] =	sst s7  }
0x10: {  	[smem:$0x3FB2] =	sst s8  }
0x11: {  	[smem:$0x3FB3] =	sst s9;
	s0 =	simm.s32 @!p0 $0x0  }
0x12: {  	s1 =	sld [smem:$0x3F99];
	s0 =	simm.s32 @p0 $0x1  }
0x13: {  	[smem:$0x3FB4] =	sst s0;
	s0 =	simm.s32 @!p1 $0x0  }
0x14: {  	s2 =	sld [smem:$0x3F98];
	s0 =	simm.s32 @p1 $0x1  }
0x15: {  	[smem:$0x3FB5] =	sst s0;
	s0 =	simm.s32 @!p2 $0x0  }
0x16: {  	s3 =	sld [smem:$0x3FDB];
	s0 =	simm.s32 @p2 $0x1  }
0x17: {  	s4 =	simm.s32 $0x1BF5;
	[smem:$0x3FB7] =	sst s0  }
0x18: {  	s0 =	sld [smem:$0x3F9A];
	_ =	swait.ge [sflag:s4], $0x0  }
0x19: {  	s7 =	sld [smem:$0x3F9B]  }
0x1a: {  	s8 =	sadd.s32 $0xFFFFE003, lr  }
0x1b: {  	s9 =	sadd.s32 $0xFFFFFEF7, lr;
	s5 =	simm.s32 $0xFFFFFFFF;
	p2 =	slt.u32 s8, $0xFFFFF086  }
0x1c: {  	p1 =	slt.u32 s9, $0xF7A;
	s5 =	simm.s32 @!p2 $0x0  }
0x1d: {  	s5 =	simm.s32 @p1 $0x1;
	p0 =	seq.s32 s7, s2  }
0x1e: {  	s7 =	smul.u32 @!p0 $0xF7A, s2;
	p2 =	seq.s32 @!p0 s5, $0x0  }
0x1f: {  	s9 =	smul.u32 $0xF7A, s1;
	s8 =	simm.s32 @!p0 $0x1BF5;
	p2 =	por !p2, p0  }
0x20: {  	[sflag:s8] =	ssyncset.s32 @!p0 $0xFFFFF086;
	s6 =	sadd.s32 @!p0 s3, s7;
	s7 =	simm.s32 @!p0 $0x108  }
0x21: {  	s3 =	sadd.s32 s3, s9;
	s6 =	sadd.s32 @!p0 $0x88, s6;
	s7 =	simm.s32 @p2 $0x1082  }
0x22: {  	[simem:s7], [sflag:s8] =	dma.local @!p0 [hbm:s6], $0xF7A  }
0x23: {  	s9 =	sor.u32 $0xD0000000, s2;
	s6 =	simm.s32 $0x108;
	_ =	swait.ge @!p0 [sflag:s8], $0x0  }
0x24: {  	s3 =	sadd.s32 $0x88, s3;
	s6 =	simm.s32 @!p1 $0x1082;
	[sflag:s4] =	ssyncset.s32 $0xFFFFF086  }
0x25: {  	[simem:s6], [sflag:s4] =	dma.local [hbm:s3], $0xF7A  }
0x26: {  	[smem:$0x3F9B] =	sst s1;
	(tag) =	ssettag s2;
	_ =	strace s9  }
0x27: {  	s1 =	sld [smem:$0x3FAB]  }
0x28: {  	s2 =	sld [smem:$0x3FAC]  }
0x29: {  	s4 =	sld [smem:$0x3FAE]  }
0x2a: {  	p0 =	seq.s32 s5, $0x0;
	s5 =	sld [smem:$0x3FAF]  }
0x2b: {  	s6 =	sld [smem:$0x3FB0]  }
0x2c: {  	s7 =	sld [smem:$0x3FB1]  }
0x2d: {  	s3 =	simm.s32 $0x108;
	s8 =	sld [smem:$0x3FB2]  }
0x2e: {  	s3 =	simm.s32 @!p0 $0x1082;
	s9 =	sld [smem:$0x3FB3]  }
0x2f: {  	lr =	sadd.s32 s0, s3;
	s0 =	sld [smem:$0x3FAA]  }
0x30: {  	s3 =	sld [smem:$0x3FAD]  }
0x31: {  	[smem:$0x3FB6] =	sst s10  }
0x32: {  	s10 =	sld [smem:$0x3FB4];
	_ =	sdelay $0x3  }
0x33: {  	p0 =	seq.s32 s10, $0x1;
	s10 =	sld [smem:$0x3FB6];
	_ =	sdelay $0x3  }
0x34: {  	[smem:$0x3FB6] =	sst s10  }
0x35: {  	s10 =	sld [smem:$0x3FB5];
	_ =	sdelay $0x3  }
0x36: {  	p1 =	seq.s32 s10, $0x1;
	s10 =	sld [smem:$0x3FB6];
	_ =	sdelay $0x3  }
0x37: {  	[smem:$0x3FB6] =	sst s10  }
0x38: {  	s10 =	sld [smem:$0x3FB7]  }
0x39: {  	_ = 	snop;
	(pc) =	sbr.ind lr, $3  }
0x3a: {  	_ = 	snop  }
0x3b: {  	_ = 	snop  }
0x3c: {  	p2 =	seq.s32 s10, $0x1;
	s10 =	sld [smem:$0x3FB6]  }
0x3d: {  	_ =	shalt  }
0x3e: {  	_ =	shalt  }
0x3f: {  	_ =	shalt  }
0x40: {  	_ =	shalt  }
0x41: {  	_ =	shalt  }
0x42: {  	_ =	shalt  }
0x43: {  	_ =	shalt  }
0x44: {  	_ =	shalt  }
0x45: {  	_ =	shalt  }
0x46: {  	_ =	shalt  }
0x47: {  	_ =	shalt  }
0x48: {  	_ =	shalt  }
0x49: {  	_ =	shalt  }
0x4a: {  	_ =	shalt  }
0x4b: {  	_ =	shalt  }
0x4c: {  	_ =	shalt  }
0x4d: {  	_ =	shalt  }
0x4e: {  	_ =	shalt  }
0x4f: {  	_ =	shalt  }
0x50: {  	_ =	shalt  }
0x51: {  	_ =	shalt  }
0x52: {  	_ =	shalt  }
0x53: {  	_ =	shalt  }
0x54: {  	_ =	shalt  }
0x55: {  	_ =	shalt  }
0x56: {  	_ =	shalt  }
0x57: {  	_ =	shalt  }
0x58: {  	_ =	shalt  }
0x59: {  	_ =	shalt  }
0x5a: {  	_ =	shalt  }
0x5b: {  	_ =	shalt  }
0x5c: {  	_ =	shalt  }
0x5d: {  	_ =	shalt  }
0x5e: {  	_ =	shalt  }
0x5f: {  	_ =	shalt  }
0x60: {  	_ =	shalt  }
0x61: {  	_ =	shalt  }
0x62: {  	_ =	shalt  }
0x63: {  	_ =	shalt  }
0x64: {  	_ =	shalt  }
0x65: {  	_ =	shalt  }
0x66: {  	_ =	shalt  }
0x67: {  	_ =	shalt  }
0x68: {  	_ =	shalt  }
0x69: {  	_ =	shalt  }
0x6a: {  	_ =	shalt  }
0x6b: {  	_ =	shalt  }
0x6c: {  	_ =	shalt  }
0x6d: {  	_ =	shalt  }
0x6e: {  	_ =	shalt  }
0x6f: {  	_ =	shalt  }
0x70: {  	_ =	shalt  }
0x71: {  	_ =	shalt  }
0x72: {  	_ =	shalt  }
0x73: {  	_ =	shalt  }
0x74: {  	_ =	shalt  }
0x75: {  	_ =	shalt  }
0x76: {  	_ =	shalt  }
0x77: {  	_ =	shalt  }
0x78: {  	_ =	shalt  }
0x79: {  	_ =	shalt  }
0x7a: {  	_ =	shalt  }
0x7b: {  	_ =	shalt  }
0x7c: {  	_ =	shalt  }
0x7d: {  	_ =	shalt  }
0x7e: {  	_ =	shalt  }
0x7f: {  	_ =	shalt  }
0x80: {  	_ =	shalt  }
0x81: {  	_ =	shalt  }
0x82: {  	_ =	shalt  }
0x83: {  	_ =	shalt  }
0x84: {  	_ =	shalt  }
0x85: {  	_ =	shalt  }
0x86: {  	_ =	shalt  }
0x87: {  	_ =	shalt  }
.Lfunc_end0:
.L_simem_size_0:
called_computation_lowered:
.L_overlay_start_0:
0x88: {  	s2 =	sld [smem:$0x3FD9]  }
0x89: {  	s3 =	sld [smem:$0x3FFE];
	_ =	sdelay $0x1  }
0x8a: {  	s1 =	srdreg.scid  }
0x8b: {  	s0 =	sand.u32 $0x1, s1  }
0x8c: {  	s17 =	sshll.u32 s0, $0xA;
	s2 =	sadd.s32 s3, s2  }
0x8d: {  	s2 =	sadd.s32 s2, s17  }
0x8e: {  	[smem:$0x3FC2] =	sst s2  }
0x8f: {  	_ = 	snop  }
0x90: {  	s2 =	sld [smem:$0x3FD0];
	(tm) =	ssettm $0x1  }
0x91: {  	s18 =	sld [smem:$0x3FFB];
	_ =	sdelay $0x3  }
0x92: {  	_ =	strace s18  }
0x93: {  	s3 =	sld [smem:$0x3FFC];
	_ =	sdelay $0x3  }
0x94: {  	_ =	strace s3  }
0x95: {  	s3 =	sld [smem:$0x3FFD];
	_ =	sdelay $0x3  }
0x96: {  	_ =	strace s3  }
0x97: {  	_ =	strace $0x8FFFFFFF  }
0x98: {  	s19 =	sld [smem:$0x3FDB];
	_ =	sdelay $0x1  }
0x99: {  	s4 =	simm.s32 $_scs_section_size  }
0x9a: {  	s5 =	simm.s32 $_size__tile_overlayer_lowered;
	s6 =	simm.s32 $_tile_overlayer_lowered  }
0x9b: {  	s22 =	simm.s32 $0x1BFF;
	s21 =	sshll.u32 s6, $0x1;
	s3 =	sadd.s32 s4, s19  }
0x9c: {  	s7 =	simm.s32 $0x0;
	s20 =	sshll.u32 s5, $0x1;
	s5 =	sadd.s32 s21, s3  }
0x9d: {  	[timem:s7], [sflag:s22] =	dma.local [hbm:s5], s20  }
0x9e: {  	_ =	swait.ge [sflag:s22], s20  }
0x9f: {  	s4 =	ssub.s32 $0x0, s20;
	[sflag:s22] =	ssyncset.done $0x0  }
0xa0: {  	[sflag:s22] =	ssyncadd.s32 s4;
	_ =	sdelay $0x1  }
0xa1: {  	s23 =	simm.s32 $0x1B8B  }
0xa2: {  	_ =	swait.ge [sflag:s23], $0x1  }
0xa3: {  	[sflag:s23] =	ssyncset.done $0x0  }
0xa4: {  	s25 =	simm.s32 $0x1B8E;
	s24 =	sld [smem:$0x3FFE];
	[sflag:s23] =	ssyncadd.s32 $0xFFFFFFFF  }
0xa5: {  	s26 =	simm.s32 $execute0_lowered;
	[smem:$0x3FD2] =	sst s25  }
0xa6: {  	s5 =	sshll.u32 s26, $0x1;
	_ =	strace $0x80000046;
	[dreg:$0x1] =	wrdreg $0xFFFFFFFF  }
0xa7: {  	s28 =	simm.s32 $_size_execute0_lowered;
	s3 =	sadd.s32 s3, s5;
	[dreg:$0x0] =	wrdreg $0x0  }
0xa8: {  	s5 =	sshll.u32 s28, $0x1;
	[dreg:$0x2] =	wrdreg s3  }
0xa9: {  	[dreg:$0x3] =	wrdreg s5  }
0xaa: {  	[dreg:$0x4] =	wrdreg $0xC0  }
0xab: {  	_ =	task [dreg:s7], $0x5FFFF  }
0xac: {  	[dreg:$0x1] =	wrdreg $0xFFFFFFFF  }
0xad: {  	[dreg:$0x0] =	wrdreg $0x60  }
0xae: {  	[dreg:$0x2] =	wrdreg s24  }
0xaf: {  	[dreg:$0x3] =	wrdreg s2  }
0xb0: {  	[dreg:$0x4] =	wrdreg $0xB4000  }
0xb1: {  	[dreg:$0x5] =	wrdreg $0x9  }
0xb2: {  	_ =	task.clear_ibuf [dreg:s7], $0x6FFFF;
	_ =	strace $0x90000046  }
0xb3: {  	s29 =	simm.s32 $0x9;
	_ =	strace $0x80000048  }
0xb4: {  	_ =	swait.ge [sflag:s29], $0x1  }
0xb5: {  	[sflag:s29] =	ssyncadd.s32 $0xFFFFFFFF  }
0xb6: {  	_ =	strace $0x90000048  }
0xb7: {  	_ =	sfence  }
0xb8: {  	s30 =	sld [smem:$0x0];
	_ =	sdelay $0x2  }
0xb9: {  	s31 =	sshll.u32 s1, $0xD;
	s1 =	sshrl.u32 s1, $0x2  }
0xba: {  	s3 =	sand.u32 $0x4000, s31;
	s1 =	sadd.s32 s1, s30  }
0xbb: {  	s0 =	sor.u32 s3, s0;
	s1 =	sshll.u32 s1, $0x11  }
0xbc: {  	s0 =	sor.u32 s1, s0  }
0xbd: {  	s0 =	sadd.s32 $0x8F2B, s0  }
0xbe: {  	[sflag:s0] =	ssyncadd.remote.s32 $0x1  }
0xbf: {  	_ =	sfence.sel $0xFFFF  }
0xc0: {  	[dreg:$0x0] =	wrdreg $0xFFFFFFFF;
	(pc) =	sbr.abs _section_cstart, $3  }
0xc1: {  	[dreg:$0x1] =	wrdreg $0xFFFFFFFF  }
0xc2: {  	_ =	task.clear_ibuf [dreg:s7], $0x2FFFF;
	_ =	strace $0x9FFFFFFF  }
0xc3: {  	(tm) =	ssettm $0x7FFFFFFF  }
tec
execute0_lowered:
.L_overlay_start_1:
0x0: {  	(tag) =	ssettag $0x1  }
0x1: {  	s0 =	rddreg [dreg:$0x0]  }
0x2: {  	s5 =	rddreg [dreg:$0x1]  }
0x3: {  	s1 =	rddreg [dreg:$0x2];
	s2 =	simm.s32 $0x0  }
0x4: {  	s3 =	srdreg.scid;
	s7 =	stileid.u32;
	s14 =	simm.s32 $0x3  }
0x5: {  	s15 =	simm.s32 $0x64;
	s16 =	simm.s32 $0x1800;
	s18 =	simm.s32 $0x4C00  }
0x6: {  	s20 =	simm.s32 $0x380;
	[smem:$0x7FF] =	sst s2;
	s9 =	smul.u32 $0x7800, s7  }
0x7: {  	s6 =	sand.u32 $0x1, s3;
	s3 =	sadd.s32 $0x2DE00, s0;
	s12 =	smul.u32 $0x4E000, s7  }
0x8: {  	s4 =	sadd.s32 $0xFE00, s0;
	s10 =	sadd.s32 $0xE00, s0;
	s23 =	smul.u32 $0x27000, s7  }
0x9: {  	s0 =	sadd.s32 $0x7C000, s0;
	s26 =	smul.u32 $0xF00, s7;
	s13 =	sadd.s32 $0x138000, s1  }
0xa: {  	p0 =	sne.s32 s7, $0x0;
	s30 =	sshll.u32 s7, $0x6;
	s8 =	smul.u32 $0x78000, s6  }
0xb: {  	_ =	strace $0x80000047;
	s11 =	ssub.s32 $0x2, s6;
	[dreg:$0x5] =	wrdreg s0  }
0xc: {  	s25 =	sshll.u32 s6, $0xA;
	[dreg:$0x8] =	wrdreg s13;
	s6 =	sshll.u32 s6, $0x7  }
0xd: {  	s13 =	simm.s32 $0xC00;
	s21 =	sshrl.u32 s11, $0x1;
	s24 =	sshrl.u32 s12, $0x2  }
0xe: {  	s28 =	sadd.s32 s26, s10;
	s8 =	sadd.s32 s9, s8;
	s0 =	ssub.s32 s11, s21  }
0xf: {  	s9 =	sshrl.u32 s9, $0x3;
	[dreg:$0x4] =	wrdreg s28;
	s21 =	simm.s32 $0x4  }
0x10: {  	s22 =	sshrl.u32 s8, $0x3;
	s9 =	sadd.s32 s10, s9;
	s0 =	smax.u32 s0, $0x1  }
0x11: {  	s29 =	sadd.s32 $0xC00, s8;
	s8 =	simm.s32 $0x200;
	[dreg:$0x7] =	wrdreg s9  }
0x12: {  	s11 =	sadd.s32 s4, s22;
	s9 =	sadd.s32 s24, s1;
	[dreg:$0xb] =	wrdreg s0  }
0x13: {  	[dreg:$0xc] =	wrdreg s29;
	s0 =	sor.u32 $0x1C04, s30;
	s22 =	simm.s32 $0x1  }
0x14: {  	s24 =	simm.s32 $0x8000;
	[dreg:$0x6] =	wrdreg s11;
	s11 =	sor.u32 s25, s23  }
0x15: {  	s31 =	sshrl.u32 s9, $0x3;
	[dreg:$0xd] =	wrdreg s0;
	s11 =	sshrl.u32 s11, $0x3  }
0x16: {  	[dreg:$0xe] =	wrdreg s31;
	s11 =	sadd.s32 s5, s11;
	s5 =	sadd.s32 s6, s5  }
0x17: {  	s25 =	simm.s32 $0x2;
	[dreg:$0x9] =	wrdreg s11;
	s5 =	sadd.s32 $0x4E000, s5  }
0x18: {  	s9 =	simm.s32 $0xD00;
	[dreg:$0xa] =	wrdreg s5;
	s5 =	simm.s32 $0x0  }
.LBB2_1:
0x19: {  	[dreg:$0xf] =	wrdreg s5  }
0x1a: {  	s26 =	rddreg [dreg:$0x6]  }
0x1b: {  	[tilespmem:s2], [sflag:$0x3] =	stream.linear.gather [hbm4b:s26+s2], $0xA00, $0x38;
	[tilespmem:$0x1EC80] =	vst v63  }
0x1c: {  	s23 =	rddreg [dreg:$0x7]  }
0x1d: {  	[tilespmem:s13], [sflag:$0x3] =	stream.linear.gather [hbm4b:s23+s2], $0xA00, $0x38;
	[tilespmem:$0x1EC80] =	vst v63  }
0x1e: {  	_ =	swait.ge [sflag:s14], $0xA00  }
0x1f: {  	[sflag:s14] =	ssyncset.done $0x0  }
0x20: {  	[sflag:s14] =	ssyncadd.s32 $0xFFFFF600  }
0x21: {  	_ =	swait.ge [sflag:s14], $0xA00  }
0x22: {  	[sflag:s14] =	ssyncset.done $0x0  }
0x23: {  	[sflag:s14] =	ssyncadd.s32 $0xFFFFF600  }
0x24: {  	[tilespmem:s16], [sflag:$0x1] =	stream.indirect.gather [hbm4b:s3+s15], $0x80, s2, s15, $0xb8;
	[tilespmem:$0x1EC80] =	vst v63  }
0x25: {  	s6 =	simm.s32 $0x80;
	s26 =	rddreg [dreg:$0x5]  }
0x26: {  	[tilespmem:s18], [sflag:$0x2] =	stream.indirect.gather [hbm4b:s3+s15], $0x80, s6, s15, $0xb8;
	[tilespmem:$0x1EC80] =	vst v63  }
0x27: {  	[spmem:s31], [sflag:s0] =	dma.local [hbm:s26], $0x2700  }
0x28: {  	_ =	swait.ge [sflag:s21], $0x2700  }
0x29: {  	s28 =	rddreg [dreg:$0x8]  }
0x2a: {  	[sflag:s21] =	ssyncset.done $0x0;
	s5 =	sshrl.u32 @!p0 s28, $0x3  }
0x2b: {  	[sflag:s21] =	ssyncadd.s32 $0xFFFFD900;
	[dreg:$0x10] =	wrdreg s5  }
0x2c: {  	[spmem:s5], [sflag:s0] =	dma.local @!p0 [hbm:s26], $0x100  }
0x2d: {  	s26 =	simm.s32 @!p0 $0x4  }
0x2e: {  	_ =	swait.ge @!p0 [sflag:s26], $0x100  }
0x2f: {  	[sflag:s26] =	ssyncset.done @!p0 $0x0  }
0x30: {  	[sflag:s26] =	ssyncadd.s32 @!p0 $0xFFFFFF00  }
0x31: {  	[bflag:$0x0] =	sbarrier.arrive $0xFFFF  }
0x32: {  	_ =	swait.ge [sflag:s22], $0x3200  }
0x33: {  	[sflag:s22] =	ssyncset.done $0x0  }
0x34: {  	s31 =	simm.s32 $0x100;
	[sflag:s22] =	ssyncadd.s32 $0xFFFFCE00  }
0x35: {  	[tilespmem:s24], [sflag:$0x3] =	stream.indirect.gather [hbm4b:s3+s15], $0x80, s31, s15, $0xb8;
	[tilespmem:$0x1EC80] =	vst v63  }
0x36: {  	_ = 	snop  }
0x37: {  	[spmem:s1] =	stream.indirect.scatter.add.f32 [tilespmem:s16], [sflag:$0x4], $0x80, s13, s15, $0xb8;
	[tilespmem:$0x1EC80] =	vst v63  }
0x38: {  	_ =	swait.ge [sflag:s21], $0x3200  }
0x39: {  	[sflag:s21] =	ssyncset.done $0x0  }
0x3a: {  	[sflag:s21] =	ssyncadd.s32 $0xFFFFCE00  }
0x3b: {  	_ =	swait.ge [sflag:s25], $0x3200  }
0x3c: {  	[sflag:s25] =	ssyncset.done $0x0  }
0x3d: {  	s5 =	simm.s32 $0x180;
	[sflag:s25] =	ssyncadd.s32 $0xFFFFCE00  }
0x3e: {  	[tilespmem:s16], [sflag:$0x1] =	stream.indirect.gather [hbm4b:s3+s15], $0x80, s5, s15, $0xb8;
	[tilespmem:$0x1EC80] =	vst v63  }
0x3f: {  	s30 =	simm.s32 $0xC80  }
0x40: {  	[spmem:s1] =	stream.indirect.scatter.add.f32 [tilespmem:s18], [sflag:$0x4], $0x80, s30, s15, $0xb8;
	[tilespmem:$0x1EC80] =	vst v63  }
0x41: {  	_ =	swait.ge [sflag:s21], $0x3200  }
0x42: {  	[sflag:s21] =	ssyncset.done $0x0  }
0x43: {  	[sflag:s21] =	ssyncadd.s32 $0xFFFFCE00  }
0x44: {  	_ =	swait.ge [sflag:s14], $0x3200  }
0x45: {  	[sflag:s14] =	ssyncset.done $0x0  }
0x46: {  	s7 =	simm.s32 $0x200;
	[sflag:s14] =	ssyncadd.s32 $0xFFFFCE00  }
0x47: {  	[tilespmem:s18], [sflag:$0x2] =	stream.indirect.gather [hbm4b:s3+s15], $0x80, s7, s15, $0xb8;
	[tilespmem:$0x1EC80] =	vst v63  }
0x48: {  	s10 =	simm.s32 $0xD00  }
0x49: {  	[spmem:s1] =	stream.indirect.scatter.add.f32 [tilespmem:s24], [sflag:$0x4], $0x80, s10, s15, $0xb8;
	[tilespmem:$0x1EC80] =	vst v63  }
0x4a: {  	_ =	swait.ge [sflag:s21], $0x3200  }
0x4b: {  	[sflag:s21] =	ssyncset.done $0x0  }
0x4c: {  	[sflag:s21] =	ssyncadd.s32 $0xFFFFCE00  }
0x4d: {  	_ =	swait.ge [sflag:s22], $0x3200  }
0x4e: {  	[sflag:s22] =	ssyncset.done $0x0  }
0x4f: {  	s11 =	simm.s32 $0x280;
	[sflag:s22] =	ssyncadd.s32 $0xFFFFCE00  }
0x50: {  	[tilespmem:s24], [sflag:$0x3] =	stream.indirect.gather [hbm4b:s3+s15], $0x80, s11, s15, $0xb8;
	[tilespmem:$0x1EC80] =	vst v63  }
0x51: {  	s12 =	simm.s32 $0xD80  }
0x52: {  	[spmem:s1] =	stream.indirect.scatter.add.f32 [tilespmem:s16], [sflag:$0x4], $0x80, s12, s15, $0xb8;
	[tilespmem:$0x1EC80] =	vst v63  }
0x53: {  	_ =	swait.ge [sflag:s21], $0x3200  }
0x54: {  	[sflag:s21] =	ssyncset.done $0x0  }
0x55: {  	[sflag:s21] =	ssyncadd.s32 $0xFFFFCE00  }
0x56: {  	_ =	swait.ge [sflag:s25], $0x3200  }
0x57: {  	[sflag:s25] =	ssyncset.done $0x0  }
0x58: {  	s17 =	simm.s32 $0x300;
	[sflag:s25] =	ssyncadd.s32 $0xFFFFCE00  }
0x59: {  	[tilespmem:s16], [sflag:$0x1] =	stream.indirect.gather [hbm4b:s3+s15], $0x80, s17, s15, $0xb8;
	[tilespmem:$0x1EC80] =	vst v63  }
0x5a: {  	s19 =	simm.s32 $0xE00  }
0x5b: {  	[spmem:s1] =	stream.indirect.scatter.add.f32 [tilespmem:s18], [sflag:$0x4], $0x80, s19, s15, $0xb8;
	[tilespmem:$0x1EC80] =	vst v63  }
0x5c: {  	_ =	swait.ge [sflag:s21], $0x3200  }
0x5d: {  	[sflag:s21] =	ssyncset.done $0x0  }
0x5e: {  	[sflag:s21] =	ssyncadd.s32 $0xFFFFCE00  }
0x5f: {  	_ =	swait.ge [sflag:s14], $0x3200  }
0x60: {  	[sflag:s14] =	ssyncset.done $0x0  }
0x61: {  	s23 =	simm.s32 $0x380;
	[sflag:s14] =	ssyncadd.s32 $0xFFFFCE00  }
0x62: {  	[tilespmem:s18], [sflag:$0x2] =	stream.indirect.gather [hbm4b:s3+s15], $0x80, s23, s15, $0xb8;
	[tilespmem:$0x1EC80] =	vst v63  }
0x63: {  	s26 =	simm.s32 $0xE80  }
0x64: {  	[spmem:s1] =	stream.indirect.scatter.add.f32 [tilespmem:s24], [sflag:$0x4], $0x80, s26, s15, $0xb8;
	[tilespmem:$0x1EC80] =	vst v63  }
0x65: {  	_ =	swait.ge [sflag:s21], $0x3200  }
0x66: {  	[sflag:s21] =	ssyncset.done $0x0  }
0x67: {  	[sflag:s21] =	ssyncadd.s32 $0xFFFFCE00  }
0x68: {  	_ =	swait.ge [sflag:s22], $0x3200  }
0x69: {  	[sflag:s22] =	ssyncset.done $0x0  }
0x6a: {  	s26 =	simm.s32 $0x400;
	[sflag:s22] =	ssyncadd.s32 $0xFFFFCE00  }
0x6b: {  	[tilespmem:s24], [sflag:$0x3] =	stream.indirect.gather [hbm4b:s3+s15], $0x80, s26, s15, $0xb8;
	[tilespmem:$0x1EC80] =	vst v63  }
0x6c: {  	s26 =	simm.s32 $0xF00  }
0x6d: {  	[spmem:s1] =	stream.indirect.scatter.add.f32 [tilespmem:s16], [sflag:$0x4], $0x80, s26, s15, $0xb8;
	[tilespmem:$0x1EC80] =	vst v63  }
0x6e: {  	_ =	swait.ge [sflag:s21], $0x3200  }
0x6f: {  	[sflag:s21] =	ssyncset.done $0x0  }
0x70: {  	[sflag:s21] =	ssyncadd.s32 $0xFFFFCE00  }
0x71: {  	_ =	swait.ge [sflag:s25], $0x3200  }
0x72: {  	[sflag:s25] =	ssyncset.done $0x0  }
0x73: {  	s26 =	simm.s32 $0x480;
	[sflag:s25] =	ssyncadd.s32 $0xFFFFCE00  }
0x74: {  	[tilespmem:s16], [sflag:$0x1] =	stream.indirect.gather [hbm4b:s3+s15], $0x80, s26, s15, $0xb8;
	[tilespmem:$0x1EC80] =	vst v63  }
0x75: {  	s26 =	simm.s32 $0xF80  }
0x76: {  	[spmem:s1] =	stream.indirect.scatter.add.f32 [tilespmem:s18], [sflag:$0x4], $0x80, s26, s15, $0xb8;
	[tilespmem:$0x1EC80] =	vst v63  }
0x77: {  	_ =	swait.ge [sflag:s21], $0x3200  }
0x78: {  	[sflag:s21] =	ssyncset.done $0x0  }
0x79: {  	[sflag:s21] =	ssyncadd.s32 $0xFFFFCE00  }
0x7a: {  	_ =	swait.ge [sflag:s14], $0x3200  }
0x7b: {  	[sflag:s14] =	ssyncset.done $0x0  }
0x7c: {  	s26 =	simm.s32 $0x500;
	[sflag:s14] =	ssyncadd.s32 $0xFFFFCE00  }
0x7d: {  	[tilespmem:s18], [sflag:$0x2] =	stream.indirect.gather [hbm4b:s3+s15], $0x80, s26, s15, $0xb8;
	[tilespmem:$0x1EC80] =	vst v63  }
0x7e: {  	s26 =	simm.s32 $0x1000  }
0x7f: {  	[spmem:s1] =	stream.indirect.scatter.add.f32 [tilespmem:s24], [sflag:$0x4], $0x80, s26, s15, $0xb8;
	[tilespmem:$0x1EC80] =	vst v63  }
0x80: {  	_ =	swait.ge [sflag:s21], $0x3200  }
0x81: {  	[sflag:s21] =	ssyncset.done $0x0  }
0x82: {  	[sflag:s21] =	ssyncadd.s32 $0xFFFFCE00  }
0x83: {  	_ =	swait.ge [sflag:s22], $0x3200  }
0x84: {  	[sflag:s22] =	ssyncset.done $0x0  }
0x85: {  	s26 =	simm.s32 $0x580;
	[sflag:s22] =	ssyncadd.s32 $0xFFFFCE00  }
0x86: {  	[tilespmem:s24], [sflag:$0x3] =	stream.indirect.gather [hbm4b:s3+s15], $0x80, s26, s15, $0xb8;
	[tilespmem:$0x1EC80] =	vst v63  }
0x87: {  	s26 =	simm.s32 $0x1080  }
0x88: {  	[spmem:s1] =	stream.indirect.scatter.add.f32 [tilespmem:s16], [sflag:$0x4], $0x80, s26, s15, $0xb8;
	[tilespmem:$0x1EC80] =	vst v63  }
0x89: {  	_ =	swait.ge [sflag:s21], $0x3200  }
0x8a: {  	[sflag:s21] =	ssyncset.done $0x0  }
0x8b: {  	[sflag:s21] =	ssyncadd.s32 $0xFFFFCE00  }
0x8c: {  	_ =	swait.ge [sflag:s25], $0x3200  }
0x8d: {  	[sflag:s25] =	ssyncset.done $0x0  }
0x8e: {  	s26 =	simm.s32 $0x600;
	[sflag:s25] =	ssyncadd.s32 $0xFFFFCE00  }
0x8f: {  	[tilespmem:s16], [sflag:$0x1] =	stream.indirect.gather [hbm4b:s3+s15], $0x80, s26, s15, $0xb8;
	[tilespmem:$0x1EC80] =	vst v63  }
0x90: {  	s26 =	simm.s32 $0x1100  }
0x91: {  	[spmem:s1] =	stream.indirect.scatter.add.f32 [tilespmem:s18], [sflag:$0x4], $0x80, s26, s15, $0xb8;
	[tilespmem:$0x1EC80] =	vst v63  }
0x92: {  	_ =	swait.ge [sflag:s21], $0x3200  }
0x93: {  	[sflag:s21] =	ssyncset.done $0x0  }
0x94: {  	[sflag:s21] =	ssyncadd.s32 $0xFFFFCE00  }
0x95: {  	_ =	swait.ge [sflag:s14], $0x3200  }
0x96: {  	[sflag:s14] =	ssyncset.done $0x0  }
0x97: {  	s26 =	simm.s32 $0x680;
	[sflag:s14] =	ssyncadd.s32 $0xFFFFCE00  }
0x98: {  	[tilespmem:s18], [sflag:$0x2] =	stream.indirect.gather [hbm4b:s3+s15], $0x80, s26, s15, $0xb8;
	[tilespmem:$0x1EC80] =	vst v63  }
0x99: {  	s26 =	simm.s32 $0x1180  }
0x9a: {  	[spmem:s1] =	stream.indirect.scatter.add.f32 [tilespmem:s24], [sflag:$0x4], $0x80, s26, s15, $0xb8;
	[tilespmem:$0x1EC80] =	vst v63  }
0x9b: {  	_ =	swait.ge [sflag:s21], $0x3200  }
0x9c: {  	[sflag:s21] =	ssyncset.done $0x0  }
0x9d: {  	[sflag:s21] =	ssyncadd.s32 $0xFFFFCE00  }
0x9e: {  	_ =	swait.ge [sflag:s22], $0x3200  }
0x9f: {  	[sflag:s22] =	ssyncset.done $0x0  }
0xa0: {  	s26 =	simm.s32 $0x700;
	[sflag:s22] =	ssyncadd.s32 $0xFFFFCE00  }
0xa1: {  	[tilespmem:s24], [sflag:$0x3] =	stream.indirect.gather [hbm4b:s3+s15], $0x80, s26, s15, $0xb8;
	[tilespmem:$0x1EC80] =	vst v63  }
0xa2: {  	s26 =	simm.s32 $0x1200  }
0xa3: {  	[spmem:s1] =	stream.indirect.scatter.add.f32 [tilespmem:s16], [sflag:$0x4], $0x80, s26, s15, $0xb8;
	[tilespmem:$0x1EC80] =	vst v63  }
0xa4: {  	_ =	swait.ge [sflag:s21], $0x3200  }
0xa5: {  	[sflag:s21] =	ssyncset.done $0x0  }
0xa6: {  	[sflag:s21] =	ssyncadd.s32 $0xFFFFCE00  }
0xa7: {  	_ =	swait.ge [sflag:s25], $0x3200  }
0xa8: {  	[sflag:s25] =	ssyncset.done $0x0  }
0xa9: {  	s26 =	simm.s32 $0x780;
	[sflag:s25] =	ssyncadd.s32 $0xFFFFCE00  }
0xaa: {  	[tilespmem:s16], [sflag:$0x1] =	stream.indirect.gather [hbm4b:s3+s15], $0x80, s26, s15, $0xb8;
	[tilespmem:$0x1EC80] =	vst v63  }
0xab: {  	s26 =	simm.s32 $0x1280  }
0xac: {  	[spmem:s1] =	stream.indirect.scatter.add.f32 [tilespmem:s18], [sflag:$0x4], $0x80, s26, s15, $0xb8;
	[tilespmem:$0x1EC80] =	vst v63  }
0xad: {  	_ =	swait.ge [sflag:s21], $0x3200  }
0xae: {  	[sflag:s21] =	ssyncset.done $0x0  }
0xaf: {  	[sflag:s21] =	ssyncadd.s32 $0xFFFFCE00  }
0xb0: {  	_ =	swait.ge [sflag:s14], $0x3200  }
0xb1: {  	[sflag:s14] =	ssyncset.done $0x0  }
0xb2: {  	s26 =	simm.s32 $0x800;
	[sflag:s14] =	ssyncadd.s32 $0xFFFFCE00  }
0xb3: {  	[tilespmem:s18], [sflag:$0x2] =	stream.indirect.gather [hbm4b:s3+s15], $0x80, s26, s15, $0xb8;
	[tilespmem:$0x1EC80] =	vst v63  }
0xb4: {  	s26 =	simm.s32 $0x1300  }
0xb5: {  	[spmem:s1] =	stream.indirect.scatter.add.f32 [tilespmem:s24], [sflag:$0x4], $0x80, s26, s15, $0xb8;
	[tilespmem:$0x1EC80] =	vst v63  }
0xb6: {  	_ =	swait.ge [sflag:s21], $0x3200  }
0xb7: {  	[sflag:s21] =	ssyncset.done $0x0  }
0xb8: {  	[sflag:s21] =	ssyncadd.s32 $0xFFFFCE00  }
0xb9: {  	_ =	swait.ge [sflag:s22], $0x3200  }
0xba: {  	[sflag:s22] =	ssyncset.done $0x0  }
0xbb: {  	s26 =	simm.s32 $0x880;
	[sflag:s22] =	ssyncadd.s32 $0xFFFFCE00  }
0xbc: {  	[tilespmem:s24], [sflag:$0x3] =	stream.indirect.gather [hbm4b:s3+s15], $0x80, s26, s15, $0xb8;
	[tilespmem:$0x1EC80] =	vst v63  }
0xbd: {  	s26 =	simm.s32 $0x1380  }
0xbe: {  	[spmem:s1] =	stream.indirect.scatter.add.f32 [tilespmem:s16], [sflag:$0x4], $0x80, s26, s15, $0xb8;
	[tilespmem:$0x1EC80] =	vst v63  }
0xbf: {  	_ =	swait.ge [sflag:s21], $0x3200  }
0xc0: {  	[sflag:s21] =	ssyncset.done $0x0  }
0xc1: {  	[sflag:s21] =	ssyncadd.s32 $0xFFFFCE00  }
0xc2: {  	_ =	swait.ge [sflag:s25], $0x3200  }
0xc3: {  	[sflag:s25] =	ssyncset.done $0x0  }
0xc4: {  	s26 =	simm.s32 $0x900;
	[sflag:s25] =	ssyncadd.s32 $0xFFFFCE00  }
0xc5: {  	[tilespmem:s16], [sflag:$0x1] =	stream.indirect.gather [hbm4b:s3+s15], $0x80, s26, s15, $0xb8;
	[tilespmem:$0x1EC80] =	vst v63  }
0xc6: {  	s26 =	simm.s32 $0x1400  }
0xc7: {  	[spmem:s1] =	stream.indirect.scatter.add.f32 [tilespmem:s18], [sflag:$0x4], $0x80, s26, s15, $0xb8;
	[tilespmem:$0x1EC80] =	vst v63  }
0xc8: {  	_ =	swait.ge [sflag:s21], $0x3200  }
0xc9: {  	[sflag:s21] =	ssyncset.done $0x0  }
0xca: {  	[sflag:s21] =	ssyncadd.s32 $0xFFFFCE00  }
0xcb: {  	_ =	swait.ge [sflag:s14], $0x3200  }
0xcc: {  	[sflag:s14] =	ssyncset.done $0x0  }
0xcd: {  	s26 =	simm.s32 $0x980;
	[sflag:s14] =	ssyncadd.s32 $0xFFFFCE00  }
0xce: {  	[tilespmem:s18], [sflag:$0x2] =	stream.indirect.gather [hbm4b:s3+s15], $0x80, s26, s15, $0xb8;
	[tilespmem:$0x1EC80] =	vst v63  }
0xcf: {  	s26 =	simm.s32 $0x1480  }
0xd0: {  	[spmem:s1] =	stream.indirect.scatter.add.f32 [tilespmem:s24], [sflag:$0x4], $0x80, s26, s15, $0xb8;
	[tilespmem:$0x1EC80] =	vst v63  }
0xd1: {  	_ =	swait.ge [sflag:s21], $0x3200  }
0xd2: {  	[sflag:s21] =	ssyncset.done $0x0  }
0xd3: {  	[sflag:s21] =	ssyncadd.s32 $0xFFFFCE00  }
0xd4: {  	_ =	swait.ge [sflag:s22], $0x3200  }
0xd5: {  	[sflag:s22] =	ssyncset.done $0x0  }
0xd6: {  	s26 =	simm.s32 $0x1500;
	[sflag:s22] =	ssyncadd.s32 $0xFFFFCE00  }
0xd7: {  	[spmem:s1] =	stream.indirect.scatter.add.f32 [tilespmem:s16], [sflag:$0x4], $0x80, s26, s15, $0xb8;
	[tilespmem:$0x1EC80] =	vst v63  }
0xd8: {  	_ =	swait.ge [sflag:s21], $0x3200  }
0xd9: {  	[sflag:s21] =	ssyncset.done $0x0  }
0xda: {  	[sflag:s21] =	ssyncadd.s32 $0xFFFFCE00  }
0xdb: {  	_ =	swait.ge [sflag:s25], $0x3200  }
0xdc: {  	[sflag:s25] =	ssyncset.done $0x0  }
0xdd: {  	s26 =	simm.s32 $0x1580;
	[sflag:s25] =	ssyncadd.s32 $0xFFFFCE00  }
0xde: {  	[spmem:s1] =	stream.indirect.scatter.add.f32 [tilespmem:s18], [sflag:$0x4], $0x80, s26, s15, $0xb8;
	[tilespmem:$0x1EC80] =	vst v63  }
0xdf: {  	_ =	swait.ge [sflag:s21], $0x3200  }
0xe0: {  	s29 =	rddreg [dreg:$0xc]  }
0xe1: {  	[sflag:s21] =	ssyncset.done $0x0;
	s0 =	sshrl.u32 s29, $0x3  }
0xe2: {  	s28 =	rddreg [dreg:$0x4];
	[sflag:s21] =	ssyncadd.s32 $0xFFFFCE00;
	s26 =	sadd.s32 s4, s0  }
0xe3: {  	[tilespmem:s2], [sflag:$0x3] =	stream.linear.gather [hbm4b:s26+s2], $0xA00, $0x38;
	[tilespmem:$0x1EC80] =	vst v63  }
0xe4: {  	s0 =	sadd.s32 $0x180, s28  }
0xe5: {  	[tilespmem:s13], [sflag:$0x3] =	stream.linear.gather [hbm4b:s0+s2], $0xA00, $0x38;
	[tilespmem:$0x1EC80] =	vst v63  }
0xe6: {  	_ =	swait.ge [sflag:s14], $0xA00  }
0xe7: {  	[sflag:s14] =	ssyncset.done $0x0  }
0xe8: {  	[sflag:s14] =	ssyncadd.s32 $0xFFFFF600  }
0xe9: {  	_ =	swait.ge [sflag:s14], $0xA00  }
0xea: {  	[sflag:s14] =	ssyncset.done $0x0  }
0xeb: {  	[sflag:s14] =	ssyncadd.s32 $0xFFFFF600  }
0xec: {  	[tilespmem:s16], [sflag:$0x1] =	stream.indirect.gather [hbm4b:s3+s15], $0x80, s2, s15, $0xb8;
	[tilespmem:$0x1EC80] =	vst v63  }
0xed: {  	_ = 	snop  }
0xee: {  	[tilespmem:s18], [sflag:$0x2] =	stream.indirect.gather [hbm4b:s3+s15], $0x80, s6, s15, $0xb8;
	[tilespmem:$0x1EC80] =	vst v63  }
0xef: {  	_ =	swait.ge [sflag:s22], $0x3200  }
0xf0: {  	[sflag:s22] =	ssyncset.done $0x0  }
0xf1: {  	[sflag:s22] =	ssyncadd.s32 $0xFFFFCE00  }
0xf2: {  	[tilespmem:s24], [sflag:$0x3] =	stream.indirect.gather [hbm4b:s3+s15], $0x80, s31, s15, $0xb8;
	[tilespmem:$0x1EC80] =	vst v63  }
0xf3: {  	_ = 	snop  }
0xf4: {  	[spmem:s1] =	stream.indirect.scatter.add.f32 [tilespmem:s16], [sflag:$0x4], $0x80, s13, s15, $0xb8;
	[tilespmem:$0x1EC80] =	vst v63  }
0xf5: {  	_ =	swait.ge [sflag:s21], $0x3200  }
0xf6: {  	[sflag:s21] =	ssyncset.done $0x0  }
0xf7: {  	[sflag:s21] =	ssyncadd.s32 $0xFFFFCE00  }
0xf8: {  	_ =	swait.ge [sflag:s25], $0x3200  }
0xf9: {  	[sflag:s25] =	ssyncset.done $0x0  }
0xfa: {  	[sflag:s25] =	ssyncadd.s32 $0xFFFFCE00  }
0xfb: {  	[tilespmem:s16], [sflag:$0x1] =	stream.indirect.gather [hbm4b:s3+s15], $0x80, s5, s15, $0xb8;
	[tilespmem:$0x1EC80] =	vst v63  }
0xfc: {  	_ = 	snop  }
0xfd: {  	[spmem:s1] =	stream.indirect.scatter.add.f32 [tilespmem:s18], [sflag:$0x4], $0x80, s30, s15, $0xb8;
	[tilespmem:$0x1EC80] =	vst v63  }
0xfe: {  	_ =	swait.ge [sflag:s21], $0x3200  }
0xff: {  	[sflag:s21] =	ssyncset.done $0x0  }
0x100: {  	[sflag:s21] =	ssyncadd.s32 $0xFFFFCE00  }
0x101: {  	_ =	swait.ge [sflag:s14], $0x3200  }
0x102: {  	[sflag:s14] =	ssyncset.done $0x0  }
0x103: {  	[sflag:s14] =	ssyncadd.s32 $0xFFFFCE00  }
0x104: {  	[tilespmem:s18], [sflag:$0x2] =	stream.indirect.gather [hbm4b:s3+s15], $0x80, s7, s15, $0xb8;
	[tilespmem:$0x1EC80] =	vst v63  }
0x105: {  	_ = 	snop  }
0x106: {  	[spmem:s1] =	stream.indirect.scatter.add.f32 [tilespmem:s24], [sflag:$0x4], $0x80, s10, s15, $0xb8;
	[tilespmem:$0x1EC80] =	vst v63  }
0x107: {  	_ =	swait.ge [sflag:s21], $0x3200  }
0x108: {  	[sflag:s21] =	ssyncset.done $0x0  }
0x109: {  	[sflag:s21] =	ssyncadd.s32 $0xFFFFCE00  }
0x10a: {  	_ =	swait.ge [sflag:s22], $0x3200  }
0x10b: {  	[sflag:s22] =	ssyncset.done $0x0  }
0x10c: {  	[sflag:s22] =	ssyncadd.s32 $0xFFFFCE00  }
0x10d: {  	[tilespmem:s24], [sflag:$0x3] =	stream.indirect.gather [hbm4b:s3+s15], $0x80, s11, s15, $0xb8;
	[tilespmem:$0x1EC80] =	vst v63  }
0x10e: {  	_ = 	snop  }
0x10f: {  	[spmem:s1] =	stream.indirect.scatter.add.f32 [tilespmem:s16], [sflag:$0x4], $0x80, s12, s15, $0xb8;
	[tilespmem:$0x1EC80] =	vst v63  }
0x110: {  	_ =	swait.ge [sflag:s21], $0x3200  }
0x111: {  	[sflag:s21] =	ssyncset.done $0x0  }
0x112: {  	[sflag:s21] =	ssyncadd.s32 $0xFFFFCE00  }
0x113: {  	_ =	swait.ge [sflag:s25], $0x3200  }
0x114: {  	[sflag:s25] =	ssyncset.done $0x0  }
0x115: {  	[sflag:s25] =	ssyncadd.s32 $0xFFFFCE00  }
0x116: {  	[tilespmem:s16], [sflag:$0x1] =	stream.indirect.gather [hbm4b:s3+s15], $0x80, s17, s15, $0xb8;
	[tilespmem:$0x1EC80] =	vst v63  }
0x117: {  	_ = 	snop  }
0x118: {  	[spmem:s1] =	stream.indirect.scatter.add.f32 [tilespmem:s18], [sflag:$0x4], $0x80, s19, s15, $0xb8;
	[tilespmem:$0x1EC80] =	vst v63  }
0x119: {  	_ =	swait.ge [sflag:s21], $0x3200  }
0x11a: {  	[sflag:s21] =	ssyncset.done $0x0  }
0x11b: {  	[sflag:s21] =	ssyncadd.s32 $0xFFFFCE00  }
0x11c: {  	_ =	swait.ge [sflag:s14], $0x3200  }
0x11d: {  	[sflag:s14] =	ssyncset.done $0x0  }
0x11e: {  	[sflag:s14] =	ssyncadd.s32 $0xFFFFCE00  }
0x11f: {  	[tilespmem:s18], [sflag:$0x2] =	stream.indirect.gather [hbm4b:s3+s15], $0x80, s23, s15, $0xb8;
	[tilespmem:$0x1EC80] =	vst v63  }
0x120: {  	s17 =	simm.s32 $0xE80  }
0x121: {  	[spmem:s1] =	stream.indirect.scatter.add.f32 [tilespmem:s24], [sflag:$0x4], $0x80, s17, s15, $0xb8;
	[tilespmem:$0x1EC80] =	vst v63  }
0x122: {  	_ =	swait.ge [sflag:s21], $0x3200  }
0x123: {  	[sflag:s21] =	ssyncset.done $0x0  }
0x124: {  	[sflag:s21] =	ssyncadd.s32 $0xFFFFCE00  }
0x125: {  	_ =	swait.ge [sflag:s22], $0x3200  }
0x126: {  	[sflag:s22] =	ssyncset.done $0x0  }
0x127: {  	s23 =	simm.s32 $0x400;
	[sflag:s22] =	ssyncadd.s32 $0xFFFFCE00  }
0x128: {  	[tilespmem:s24], [sflag:$0x3] =	stream.indirect.gather [hbm4b:s3+s15], $0x80, s23, s15, $0xb8;
	[tilespmem:$0x1EC80] =	vst v63  }
0x129: {  	s26 =	simm.s32 $0xF00  }
0x12a: {  	[spmem:s1] =	stream.indirect.scatter.add.f32 [tilespmem:s16], [sflag:$0x4], $0x80, s26, s15, $0xb8;
	[tilespmem:$0x1EC80] =	vst v63  }
0x12b: {  	_ =	swait.ge [sflag:s21], $0x3200  }
0x12c: {  	[sflag:s21] =	ssyncset.done $0x0  }
0x12d: {  	[sflag:s21] =	ssyncadd.s32 $0xFFFFCE00  }
0x12e: {  	_ =	swait.ge [sflag:s25], $0x3200  }
0x12f: {  	[sflag:s25] =	ssyncset.done $0x0  }
0x130: {  	s26 =	simm.s32 $0x480;
	[sflag:s25] =	ssyncadd.s32 $0xFFFFCE00  }
0x131: {  	[tilespmem:s16], [sflag:$0x1] =	stream.indirect.gather [hbm4b:s3+s15], $0x80, s26, s15, $0xb8;
	[tilespmem:$0x1EC80] =	vst v63  }
0x132: {  	s26 =	simm.s32 $0xF80  }
0x133: {  	[spmem:s1] =	stream.indirect.scatter.add.f32 [tilespmem:s18], [sflag:$0x4], $0x80, s26, s15, $0xb8;
	[tilespmem:$0x1EC80] =	vst v63  }
0x134: {  	_ =	swait.ge [sflag:s21], $0x3200  }
0x135: {  	[sflag:s21] =	ssyncset.done $0x0  }
0x136: {  	[sflag:s21] =	ssyncadd.s32 $0xFFFFCE00  }
0x137: {  	_ =	swait.ge [sflag:s14], $0x3200  }
0x138: {  	[sflag:s14] =	ssyncset.done $0x0  }
0x139: {  	s26 =	simm.s32 $0x500;
	[sflag:s14] =	ssyncadd.s32 $0xFFFFCE00  }
0x13a: {  	[tilespmem:s18], [sflag:$0x2] =	stream.indirect.gather [hbm4b:s3+s15], $0x80, s26, s15, $0xb8;
	[tilespmem:$0x1EC80] =	vst v63  }
0x13b: {  	s26 =	simm.s32 $0x1000  }
0x13c: {  	[spmem:s1] =	stream.indirect.scatter.add.f32 [tilespmem:s24], [sflag:$0x4], $0x80, s26, s15, $0xb8;
	[tilespmem:$0x1EC80] =	vst v63  }
0x13d: {  	_ =	swait.ge [sflag:s21], $0x3200  }
0x13e: {  	[sflag:s21] =	ssyncset.done $0x0  }
0x13f: {  	[sflag:s21] =	ssyncadd.s32 $0xFFFFCE00  }
0x140: {  	_ =	swait.ge [sflag:s22], $0x3200  }
0x141: {  	[sflag:s22] =	ssyncset.done $0x0  }
0x142: {  	s26 =	simm.s32 $0x580;
	[sflag:s22] =	ssyncadd.s32 $0xFFFFCE00  }
0x143: {  	[tilespmem:s24], [sflag:$0x3] =	stream.indirect.gather [hbm4b:s3+s15], $0x80, s26, s15, $0xb8;
	[tilespmem:$0x1EC80] =	vst v63  }
0x144: {  	s26 =	simm.s32 $0x1080  }
0x145: {  	[spmem:s1] =	stream.indirect.scatter.add.f32 [tilespmem:s16], [sflag:$0x4], $0x80, s26, s15, $0xb8;
	[tilespmem:$0x1EC80] =	vst v63  }
0x146: {  	_ =	swait.ge [sflag:s21], $0x3200  }
0x147: {  	[sflag:s21] =	ssyncset.done $0x0  }
0x148: {  	[sflag:s21] =	ssyncadd.s32 $0xFFFFCE00  }
0x149: {  	_ =	swait.ge [sflag:s25], $0x3200  }
0x14a: {  	[sflag:s25] =	ssyncset.done $0x0  }
0x14b: {  	s26 =	simm.s32 $0x600;
	[sflag:s25] =	ssyncadd.s32 $0xFFFFCE00  }
0x14c: {  	[tilespmem:s16], [sflag:$0x1] =	stream.indirect.gather [hbm4b:s3+s15], $0x80, s26, s15, $0xb8;
	[tilespmem:$0x1EC80] =	vst v63  }
0x14d: {  	s26 =	simm.s32 $0x1100  }
0x14e: {  	[spmem:s1] =	stream.indirect.scatter.add.f32 [tilespmem:s18], [sflag:$0x4], $0x80, s26, s15, $0xb8;
	[tilespmem:$0x1EC80] =	vst v63  }
0x14f: {  	_ =	swait.ge [sflag:s21], $0x3200  }
0x150: {  	[sflag:s21] =	ssyncset.done $0x0  }
0x151: {  	[sflag:s21] =	ssyncadd.s32 $0xFFFFCE00  }
0x152: {  	_ =	swait.ge [sflag:s14], $0x3200  }
0x153: {  	[sflag:s14] =	ssyncset.done $0x0  }
0x154: {  	s26 =	simm.s32 $0x680;
	[sflag:s14] =	ssyncadd.s32 $0xFFFFCE00  }
0x155: {  	[tilespmem:s18], [sflag:$0x2] =	stream.indirect.gather [hbm4b:s3+s15], $0x80, s26, s15, $0xb8;
	[tilespmem:$0x1EC80] =	vst v63  }
0x156: {  	s26 =	simm.s32 $0x1180  }
0x157: {  	[spmem:s1] =	stream.indirect.scatter.add.f32 [tilespmem:s24], [sflag:$0x4], $0x80, s26, s15, $0xb8;
	[tilespmem:$0x1EC80] =	vst v63  }
0x158: {  	_ =	swait.ge [sflag:s21], $0x3200  }
0x159: {  	[sflag:s21] =	ssyncset.done $0x0  }
0x15a: {  	[sflag:s21] =	ssyncadd.s32 $0xFFFFCE00  }
0x15b: {  	_ =	swait.ge [sflag:s22], $0x3200  }
0x15c: {  	[sflag:s22] =	ssyncset.done $0x0  }
0x15d: {  	s26 =	simm.s32 $0x700;
	[sflag:s22] =	ssyncadd.s32 $0xFFFFCE00  }
0x15e: {  	[tilespmem:s24], [sflag:$0x3] =	stream.indirect.gather [hbm4b:s3+s15], $0x80, s26, s15, $0xb8;
	[tilespmem:$0x1EC80] =	vst v63  }
0x15f: {  	s26 =	simm.s32 $0x1200  }
0x160: {  	[spmem:s1] =	stream.indirect.scatter.add.f32 [tilespmem:s16], [sflag:$0x4], $0x80, s26, s15, $0xb8;
	[tilespmem:$0x1EC80] =	vst v63  }
0x161: {  	_ =	swait.ge [sflag:s21], $0x3200  }
0x162: {  	[sflag:s21] =	ssyncset.done $0x0  }
0x163: {  	[sflag:s21] =	ssyncadd.s32 $0xFFFFCE00  }
0x164: {  	_ =	swait.ge [sflag:s25], $0x3200  }
0x165: {  	[sflag:s25] =	ssyncset.done $0x0  }
0x166: {  	s26 =	simm.s32 $0x780;
	[sflag:s25] =	ssyncadd.s32 $0xFFFFCE00  }
0x167: {  	[tilespmem:s16], [sflag:$0x1] =	stream.indirect.gather [hbm4b:s3+s15], $0x80, s26, s15, $0xb8;
	[tilespmem:$0x1EC80] =	vst v63  }
0x168: {  	s26 =	simm.s32 $0x1280  }
0x169: {  	[spmem:s1] =	stream.indirect.scatter.add.f32 [tilespmem:s18], [sflag:$0x4], $0x80, s26, s15, $0xb8;
	[tilespmem:$0x1EC80] =	vst v63  }
0x16a: {  	_ =	swait.ge [sflag:s21], $0x3200  }
0x16b: {  	[sflag:s21] =	ssyncset.done $0x0  }
0x16c: {  	[sflag:s21] =	ssyncadd.s32 $0xFFFFCE00  }
0x16d: {  	_ =	swait.ge [sflag:s14], $0x3200  }
0x16e: {  	[sflag:s14] =	ssyncset.done $0x0  }
0x16f: {  	s26 =	simm.s32 $0x800;
	[sflag:s14] =	ssyncadd.s32 $0xFFFFCE00  }
0x170: {  	[tilespmem:s18], [sflag:$0x2] =	stream.indirect.gather [hbm4b:s3+s15], $0x80, s26, s15, $0xb8;
	[tilespmem:$0x1EC80] =	vst v63  }
0x171: {  	s26 =	simm.s32 $0x1300  }
0x172: {  	[spmem:s1] =	stream.indirect.scatter.add.f32 [tilespmem:s24], [sflag:$0x4], $0x80, s26, s15, $0xb8;
	[tilespmem:$0x1EC80] =	vst v63  }
0x173: {  	_ =	swait.ge [sflag:s21], $0x3200  }
0x174: {  	[sflag:s21] =	ssyncset.done $0x0  }
0x175: {  	[sflag:s21] =	ssyncadd.s32 $0xFFFFCE00  }
0x176: {  	_ =	swait.ge [sflag:s22], $0x3200  }
0x177: {  	[sflag:s22] =	ssyncset.done $0x0  }
0x178: {  	s26 =	simm.s32 $0x880;
	[sflag:s22] =	ssyncadd.s32 $0xFFFFCE00  }
0x179: {  	[tilespmem:s24], [sflag:$0x3] =	stream.indirect.gather [hbm4b:s3+s15], $0x80, s26, s15, $0xb8;
	[tilespmem:$0x1EC80] =	vst v63  }
0x17a: {  	s26 =	simm.s32 $0x1380  }
0x17b: {  	[spmem:s1] =	stream.indirect.scatter.add.f32 [tilespmem:s16], [sflag:$0x4], $0x80, s26, s15, $0xb8;
	[tilespmem:$0x1EC80] =	vst v63  }
0x17c: {  	_ =	swait.ge [sflag:s21], $0x3200  }
0x17d: {  	[sflag:s21] =	ssyncset.done $0x0  }
0x17e: {  	[sflag:s21] =	ssyncadd.s32 $0xFFFFCE00  }
0x17f: {  	_ =	swait.ge [sflag:s25], $0x3200  }
0x180: {  	[sflag:s25] =	ssyncset.done $0x0  }
0x181: {  	s26 =	simm.s32 $0x900;
	[sflag:s25] =	ssyncadd.s32 $0xFFFFCE00  }
0x182: {  	[tilespmem:s16], [sflag:$0x1] =	stream.indirect.gather [hbm4b:s3+s15], $0x80, s26, s15, $0xb8;
	[tilespmem:$0x1EC80] =	vst v63  }
0x183: {  	s26 =	simm.s32 $0x1400  }
0x184: {  	[spmem:s1] =	stream.indirect.scatter.add.f32 [tilespmem:s18], [sflag:$0x4], $0x80, s26, s15, $0xb8;
	[tilespmem:$0x1EC80] =	vst v63  }
0x185: {  	_ =	swait.ge [sflag:s21], $0x3200  }
0x186: {  	[sflag:s21] =	ssyncset.done $0x0  }
0x187: {  	[sflag:s21] =	ssyncadd.s32 $0xFFFFCE00  }
0x188: {  	_ =	swait.ge [sflag:s14], $0x3200  }
0x189: {  	[sflag:s14] =	ssyncset.done $0x0  }
0x18a: {  	s26 =	simm.s32 $0x980;
	[sflag:s14] =	ssyncadd.s32 $0xFFFFCE00  }
0x18b: {  	[tilespmem:s18], [sflag:$0x2] =	stream.indirect.gather [hbm4b:s3+s15], $0x80, s26, s15, $0xb8;
	[tilespmem:$0x1EC80] =	vst v63  }
0x18c: {  	s26 =	simm.s32 $0x1480  }
0x18d: {  	[spmem:s1] =	stream.indirect.scatter.add.f32 [tilespmem:s24], [sflag:$0x4], $0x80, s26, s15, $0xb8;
	[tilespmem:$0x1EC80] =	vst v63  }
0x18e: {  	_ =	swait.ge [sflag:s21], $0x3200  }
0x18f: {  	[sflag:s21] =	ssyncset.done $0x0  }
0x190: {  	[sflag:s21] =	ssyncadd.s32 $0xFFFFCE00  }
0x191: {  	_ =	swait.ge [sflag:s22], $0x3200  }
0x192: {  	[sflag:s22] =	ssyncset.done $0x0  }
0x193: {  	s26 =	simm.s32 $0x1500;
	[sflag:s22] =	ssyncadd.s32 $0xFFFFCE00  }
0x194: {  	[spmem:s1] =	stream.indirect.scatter.add.f32 [tilespmem:s16], [sflag:$0x4], $0x80, s26, s15, $0xb8;
	[tilespmem:$0x1EC80] =	vst v63  }
0x195: {  	s29 =	sadd.s32 $0xC00, s29;
	s28 =	simm.s32 $0x1580;
	_ =	swait.ge [sflag:s21], $0x3200  }
0x196: {  	s0 =	simm.s32 $0x80;
	s6 =	simm.s32 $0x100;
	[sflag:s21] =	ssyncset.done $0x0  }
0x197: {  	s31 =	sshrl.u32 s29, $0x3;
	s5 =	simm.s32 $0x300;
	[sflag:s21] =	ssyncadd.s32 $0xFFFFCE00  }
0x198: {  	s7 =	simm.s32 $0x1580;
	s10 =	simm.s32 $0x280;
	_ =	swait.ge [sflag:s25], $0x3200  }
0x199: {  	s11 =	simm.s32 $0xD80;
	s12 =	simm.s32 $0xE00;
	[sflag:s25] =	ssyncset.done $0x0  }
0x19a: {  	s19 =	simm.s32 $0xE80;
	s17 =	simm.s32 $0x400;
	[sflag:s25] =	ssyncadd.s32 $0xFFFFCE00  }
0x19b: {  	[spmem:s1] =	stream.indirect.scatter.add.f32 [tilespmem:s18], [sflag:$0x4], $0x80, s28, s15, $0xb8;
	[tilespmem:$0x1EC80] =	vst v63  }
0x19c: {  	s23 =	simm.s32 $0xF00;
	s26 =	simm.s32 $0x300;
	_ =	swait.ge [sflag:s21], $0x3200  }
0x19d: {  	s28 =	simm.s32 $0x480;
	s30 =	rddreg [dreg:$0x4];
	[sflag:s21] =	ssyncset.done $0x0  }
.LBB2_2:
0x19e: {  	s31 =	sadd.s32 s4, s31;
	[sflag:s21] =	ssyncadd.s32 $0xFFFFCE00  }
0x19f: {  	[tilespmem:s2], [sflag:$0x3] =	stream.linear.gather [hbm4b:s31+s2], $0xA00, $0x38;
	[tilespmem:$0x1EC80] =	vst v63  }
0x1a0: {  	s30 =	sadd.s32 s26, s30  }
0x1a1: {  	[tilespmem:s13], [sflag:$0x3] =	stream.linear.gather [hbm4b:s30+s2], $0xA00, $0x38;
	[tilespmem:$0x1EC80] =	vst v63  }
0x1a2: {  	_ =	swait.ge [sflag:s14], $0xA00  }
0x1a3: {  	[sflag:s14] =	ssyncset.done $0x0  }
0x1a4: {  	[sflag:s14] =	ssyncadd.s32 $0xFFFFF600  }
0x1a5: {  	_ =	swait.ge [sflag:s14], $0xA00  }
0x1a6: {  	[sflag:s14] =	ssyncset.done $0x0  }
0x1a7: {  	[sflag:s14] =	ssyncadd.s32 $0xFFFFF600  }
0x1a8: {  	[tilespmem:s16], [sflag:$0x1] =	stream.indirect.gather [hbm4b:s3+s15], $0x80, s2, s15, $0xb8;
	[tilespmem:$0x1EC80] =	vst v63  }
0x1a9: {  	_ = 	snop  }
0x1aa: {  	[tilespmem:s18], [sflag:$0x2] =	stream.indirect.gather [hbm4b:s3+s15], $0x80, s0, s15, $0xb8;
	[tilespmem:$0x1EC80] =	vst v63  }
0x1ab: {  	_ =	swait.ge [sflag:s22], $0x3200  }
0x1ac: {  	[sflag:s22] =	ssyncset.done $0x0  }
0x1ad: {  	[sflag:s22] =	ssyncadd.s32 $0xFFFFCE00  }
0x1ae: {  	[tilespmem:s24], [sflag:$0x3] =	stream.indirect.gather [hbm4b:s3+s15], $0x80, s6, s15, $0xb8;
	[tilespmem:$0x1EC80] =	vst v63  }
0x1af: {  	_ = 	snop  }
0x1b0: {  	[spmem:s1] =	stream.indirect.scatter.add.f32 [tilespmem:s16], [sflag:$0x4], $0x80, s13, s15, $0xb8;
	[tilespmem:$0x1EC80] =	vst v63  }
0x1b1: {  	_ =	swait.ge [sflag:s21], $0x3200  }
0x1b2: {  	[sflag:s21] =	ssyncset.done $0x0  }
0x1b3: {  	[sflag:s21] =	ssyncadd.s32 $0xFFFFCE00  }
0x1b4: {  	_ =	swait.ge [sflag:s25], $0x3200  }
0x1b5: {  	[sflag:s25] =	ssyncset.done $0x0  }
0x1b6: {  	s30 =	simm.s32 $0x180;
	[sflag:s25] =	ssyncadd.s32 $0xFFFFCE00  }
0x1b7: {  	[tilespmem:s16], [sflag:$0x1] =	stream.indirect.gather [hbm4b:s3+s15], $0x80, s30, s15, $0xb8;
	[tilespmem:$0x1EC80] =	vst v63  }
0x1b8: {  	s30 =	simm.s32 $0xC80  }
0x1b9: {  	[spmem:s1] =	stream.indirect.scatter.add.f32 [tilespmem:s18], [sflag:$0x4], $0x80, s30, s15, $0xb8;
	[tilespmem:$0x1EC80] =	vst v63  }
0x1ba: {  	_ =	swait.ge [sflag:s21], $0x3200  }
0x1bb: {  	[sflag:s21] =	ssyncset.done $0x0  }
0x1bc: {  	[sflag:s21] =	ssyncadd.s32 $0xFFFFCE00  }
0x1bd: {  	_ =	swait.ge [sflag:s14], $0x3200  }
0x1be: {  	[sflag:s14] =	ssyncset.done $0x0  }
0x1bf: {  	[sflag:s14] =	ssyncadd.s32 $0xFFFFCE00  }
0x1c0: {  	[tilespmem:s18], [sflag:$0x2] =	stream.indirect.gather [hbm4b:s3+s15], $0x80, s8, s15, $0xb8;
	[tilespmem:$0x1EC80] =	vst v63  }
0x1c1: {  	_ = 	snop  }
0x1c2: {  	[spmem:s1] =	stream.indirect.scatter.add.f32 [tilespmem:s24], [sflag:$0x4], $0x80, s9, s15, $0xb8;
	[tilespmem:$0x1EC80] =	vst v63  }
0x1c3: {  	_ =	swait.ge [sflag:s21], $0x3200  }
0x1c4: {  	[sflag:s21] =	ssyncset.done $0x0  }
0x1c5: {  	[sflag:s21] =	ssyncadd.s32 $0xFFFFCE00  }
0x1c6: {  	_ =	swait.ge [sflag:s22], $0x3200  }
0x1c7: {  	[sflag:s22] =	ssyncset.done $0x0  }
0x1c8: {  	[sflag:s22] =	ssyncadd.s32 $0xFFFFCE00  }
0x1c9: {  	[tilespmem:s24], [sflag:$0x3] =	stream.indirect.gather [hbm4b:s3+s15], $0x80, s10, s15, $0xb8;
	[tilespmem:$0x1EC80] =	vst v63  }
0x1ca: {  	_ = 	snop  }
0x1cb: {  	[spmem:s1] =	stream.indirect.scatter.add.f32 [tilespmem:s16], [sflag:$0x4], $0x80, s11, s15, $0xb8;
	[tilespmem:$0x1EC80] =	vst v63  }
0x1cc: {  	_ =	swait.ge [sflag:s21], $0x3200  }
0x1cd: {  	[sflag:s21] =	ssyncset.done $0x0  }
0x1ce: {  	[sflag:s21] =	ssyncadd.s32 $0xFFFFCE00  }
0x1cf: {  	_ =	swait.ge [sflag:s25], $0x3200  }
0x1d0: {  	[sflag:s25] =	ssyncset.done $0x0  }
0x1d1: {  	[sflag:s25] =	ssyncadd.s32 $0xFFFFCE00  }
0x1d2: {  	[tilespmem:s16], [sflag:$0x1] =	stream.indirect.gather [hbm4b:s3+s15], $0x80, s5, s15, $0xb8;
	[tilespmem:$0x1EC80] =	vst v63  }
0x1d3: {  	_ = 	snop  }
0x1d4: {  	[spmem:s1] =	stream.indirect.scatter.add.f32 [tilespmem:s18], [sflag:$0x4], $0x80, s12, s15, $0xb8;
	[tilespmem:$0x1EC80] =	vst v63  }
0x1d5: {  	_ =	swait.ge [sflag:s21], $0x3200  }
0x1d6: {  	[sflag:s21] =	ssyncset.done $0x0  }
0x1d7: {  	[sflag:s21] =	ssyncadd.s32 $0xFFFFCE00  }
0x1d8: {  	_ =	swait.ge [sflag:s14], $0x3200  }
0x1d9: {  	[sflag:s14] =	ssyncset.done $0x0  }
0x1da: {  	[sflag:s14] =	ssyncadd.s32 $0xFFFFCE00  }
0x1db: {  	[tilespmem:s18], [sflag:$0x2] =	stream.indirect.gather [hbm4b:s3+s15], $0x80, s20, s15, $0xb8;
	[tilespmem:$0x1EC80] =	vst v63  }
0x1dc: {  	_ = 	snop  }
0x1dd: {  	[spmem:s1] =	stream.indirect.scatter.add.f32 [tilespmem:s24], [sflag:$0x4], $0x80, s19, s15, $0xb8;
	[tilespmem:$0x1EC80] =	vst v63  }
0x1de: {  	_ =	swait.ge [sflag:s21], $0x3200  }
0x1df: {  	[sflag:s21] =	ssyncset.done $0x0  }
0x1e0: {  	[sflag:s21] =	ssyncadd.s32 $0xFFFFCE00  }
0x1e1: {  	_ =	swait.ge [sflag:s22], $0x3200  }
0x1e2: {  	[sflag:s22] =	ssyncset.done $0x0  }
0x1e3: {  	[sflag:s22] =	ssyncadd.s32 $0xFFFFCE00  }
0x1e4: {  	[tilespmem:s24], [sflag:$0x3] =	stream.indirect.gather [hbm4b:s3+s15], $0x80, s17, s15, $0xb8;
	[tilespmem:$0x1EC80] =	vst v63  }
0x1e5: {  	_ = 	snop  }
0x1e6: {  	[spmem:s1] =	stream.indirect.scatter.add.f32 [tilespmem:s16], [sflag:$0x4], $0x80, s23, s15, $0xb8;
	[tilespmem:$0x1EC80] =	vst v63  }
0x1e7: {  	_ =	swait.ge [sflag:s21], $0x3200  }
0x1e8: {  	[sflag:s21] =	ssyncset.done $0x0  }
0x1e9: {  	[sflag:s21] =	ssyncadd.s32 $0xFFFFCE00  }
0x1ea: {  	_ =	swait.ge [sflag:s25], $0x3200  }
0x1eb: {  	[sflag:s25] =	ssyncset.done $0x0  }
0x1ec: {  	s30 =	simm.s32 $0x480;
	[sflag:s25] =	ssyncadd.s32 $0xFFFFCE00  }
0x1ed: {  	[tilespmem:s16], [sflag:$0x1] =	stream.indirect.gather [hbm4b:s3+s15], $0x80, s30, s15, $0xb8;
	[tilespmem:$0x1EC80] =	vst v63  }
0x1ee: {  	s30 =	simm.s32 $0xF80  }
0x1ef: {  	[spmem:s1] =	stream.indirect.scatter.add.f32 [tilespmem:s18], [sflag:$0x4], $0x80, s30, s15, $0xb8;
	[tilespmem:$0x1EC80] =	vst v63  }
0x1f0: {  	_ =	swait.ge [sflag:s21], $0x3200  }
0x1f1: {  	[sflag:s21] =	ssyncset.done $0x0  }
0x1f2: {  	[sflag:s21] =	ssyncadd.s32 $0xFFFFCE00  }
0x1f3: {  	_ =	swait.ge [sflag:s14], $0x3200  }
0x1f4: {  	[sflag:s14] =	ssyncset.done $0x0  }
0x1f5: {  	s30 =	simm.s32 $0x500;
	[sflag:s14] =	ssyncadd.s32 $0xFFFFCE00  }
0x1f6: {  	[tilespmem:s18], [sflag:$0x2] =	stream.indirect.gather [hbm4b:s3+s15], $0x80, s30, s15, $0xb8;
	[tilespmem:$0x1EC80] =	vst v63  }
0x1f7: {  	s30 =	simm.s32 $0x1000  }
0x1f8: {  	[spmem:s1] =	stream.indirect.scatter.add.f32 [tilespmem:s24], [sflag:$0x4], $0x80, s30, s15, $0xb8;
	[tilespmem:$0x1EC80] =	vst v63  }
0x1f9: {  	_ =	swait.ge [sflag:s21], $0x3200  }
0x1fa: {  	[sflag:s21] =	ssyncset.done $0x0  }
0x1fb: {  	[sflag:s21] =	ssyncadd.s32 $0xFFFFCE00  }
0x1fc: {  	_ =	swait.ge [sflag:s22], $0x3200  }
0x1fd: {  	[sflag:s22] =	ssyncset.done $0x0  }
0x1fe: {  	s30 =	simm.s32 $0x580;
	[sflag:s22] =	ssyncadd.s32 $0xFFFFCE00  }
0x1ff: {  	[tilespmem:s24], [sflag:$0x3] =	stream.indirect.gather [hbm4b:s3+s15], $0x80, s30, s15, $0xb8;
	[tilespmem:$0x1EC80] =	vst v63  }
0x200: {  	s30 =	simm.s32 $0x1080  }
0x201: {  	[spmem:s1] =	stream.indirect.scatter.add.f32 [tilespmem:s16], [sflag:$0x4], $0x80, s30, s15, $0xb8;
	[tilespmem:$0x1EC80] =	vst v63  }
0x202: {  	_ =	swait.ge [sflag:s21], $0x3200  }
0x203: {  	[sflag:s21] =	ssyncset.done $0x0  }
0x204: {  	[sflag:s21] =	ssyncadd.s32 $0xFFFFCE00  }
0x205: {  	_ =	swait.ge [sflag:s25], $0x3200  }
0x206: {  	[sflag:s25] =	ssyncset.done $0x0  }
0x207: {  	s30 =	simm.s32 $0x600;
	[sflag:s25] =	ssyncadd.s32 $0xFFFFCE00  }
0x208: {  	[tilespmem:s16], [sflag:$0x1] =	stream.indirect.gather [hbm4b:s3+s15], $0x80, s30, s15, $0xb8;
	[tilespmem:$0x1EC80] =	vst v63  }
0x209: {  	s30 =	simm.s32 $0x1100  }
0x20a: {  	[spmem:s1] =	stream.indirect.scatter.add.f32 [tilespmem:s18], [sflag:$0x4], $0x80, s30, s15, $0xb8;
	[tilespmem:$0x1EC80] =	vst v63  }
0x20b: {  	_ =	swait.ge [sflag:s21], $0x3200  }
0x20c: {  	[sflag:s21] =	ssyncset.done $0x0  }
0x20d: {  	[sflag:s21] =	ssyncadd.s32 $0xFFFFCE00  }
0x20e: {  	_ =	swait.ge [sflag:s14], $0x3200  }
0x20f: {  	[sflag:s14] =	ssyncset.done $0x0  }
0x210: {  	s30 =	simm.s32 $0x680;
	[sflag:s14] =	ssyncadd.s32 $0xFFFFCE00  }
0x211: {  	[tilespmem:s18], [sflag:$0x2] =	stream.indirect.gather [hbm4b:s3+s15], $0x80, s30, s15, $0xb8;
	[tilespmem:$0x1EC80] =	vst v63  }
0x212: {  	s30 =	simm.s32 $0x1180  }
0x213: {  	[spmem:s1] =	stream.indirect.scatter.add.f32 [tilespmem:s24], [sflag:$0x4], $0x80, s30, s15, $0xb8;
	[tilespmem:$0x1EC80] =	vst v63  }
0x214: {  	_ =	swait.ge [sflag:s21], $0x3200  }
0x215: {  	[sflag:s21] =	ssyncset.done $0x0  }
0x216: {  	[sflag:s21] =	ssyncadd.s32 $0xFFFFCE00  }
0x217: {  	_ =	swait.ge [sflag:s22], $0x3200  }
0x218: {  	[sflag:s22] =	ssyncset.done $0x0  }
0x219: {  	s30 =	simm.s32 $0x700;
	[sflag:s22] =	ssyncadd.s32 $0xFFFFCE00  }
0x21a: {  	[tilespmem:s24], [sflag:$0x3] =	stream.indirect.gather [hbm4b:s3+s15], $0x80, s30, s15, $0xb8;
	[tilespmem:$0x1EC80] =	vst v63  }
0x21b: {  	s30 =	simm.s32 $0x1200  }
0x21c: {  	[spmem:s1] =	stream.indirect.scatter.add.f32 [tilespmem:s16], [sflag:$0x4], $0x80, s30, s15, $0xb8;
	[tilespmem:$0x1EC80] =	vst v63  }
0x21d: {  	_ =	swait.ge [sflag:s21], $0x3200  }
0x21e: {  	[sflag:s21] =	ssyncset.done $0x0  }
0x21f: {  	[sflag:s21] =	ssyncadd.s32 $0xFFFFCE00  }
0x220: {  	_ =	swait.ge [sflag:s25], $0x3200  }
0x221: {  	[sflag:s25] =	ssyncset.done $0x0  }
0x222: {  	s30 =	simm.s32 $0x780;
	[sflag:s25] =	ssyncadd.s32 $0xFFFFCE00  }
0x223: {  	[tilespmem:s16], [sflag:$0x1] =	stream.indirect.gather [hbm4b:s3+s15], $0x80, s30, s15, $0xb8;
	[tilespmem:$0x1EC80] =	vst v63  }
0x224: {  	s30 =	simm.s32 $0x1280  }
0x225: {  	[spmem:s1] =	stream.indirect.scatter.add.f32 [tilespmem:s18], [sflag:$0x4], $0x80, s30, s15, $0xb8;
	[tilespmem:$0x1EC80] =	vst v63  }
0x226: {  	_ =	swait.ge [sflag:s21], $0x3200  }
0x227: {  	[sflag:s21] =	ssyncset.done $0x0  }
0x228: {  	[sflag:s21] =	ssyncadd.s32 $0xFFFFCE00  }
0x229: {  	_ =	swait.ge [sflag:s14], $0x3200  }
0x22a: {  	[sflag:s14] =	ssyncset.done $0x0  }
0x22b: {  	s30 =	simm.s32 $0x800;
	[sflag:s14] =	ssyncadd.s32 $0xFFFFCE00  }
0x22c: {  	[tilespmem:s18], [sflag:$0x2] =	stream.indirect.gather [hbm4b:s3+s15], $0x80, s30, s15, $0xb8;
	[tilespmem:$0x1EC80] =	vst v63  }
0x22d: {  	s30 =	simm.s32 $0x1300  }
0x22e: {  	[spmem:s1] =	stream.indirect.scatter.add.f32 [tilespmem:s24], [sflag:$0x4], $0x80, s30, s15, $0xb8;
	[tilespmem:$0x1EC80] =	vst v63  }
0x22f: {  	_ =	swait.ge [sflag:s21], $0x3200  }
0x230: {  	[sflag:s21] =	ssyncset.done $0x0  }
0x231: {  	[sflag:s21] =	ssyncadd.s32 $0xFFFFCE00  }
0x232: {  	_ =	swait.ge [sflag:s22], $0x3200  }
0x233: {  	[sflag:s22] =	ssyncset.done $0x0  }
0x234: {  	s30 =	simm.s32 $0x880;
	[sflag:s22] =	ssyncadd.s32 $0xFFFFCE00  }
0x235: {  	[tilespmem:s24], [sflag:$0x3] =	stream.indirect.gather [hbm4b:s3+s15], $0x80, s30, s15, $0xb8;
	[tilespmem:$0x1EC80] =	vst v63  }
0x236: {  	s30 =	simm.s32 $0x1380  }
0x237: {  	[spmem:s1] =	stream.indirect.scatter.add.f32 [tilespmem:s16], [sflag:$0x4], $0x80, s30, s15, $0xb8;
	[tilespmem:$0x1EC80] =	vst v63  }
0x238: {  	_ =	swait.ge [sflag:s21], $0x3200  }
0x239: {  	[sflag:s21] =	ssyncset.done $0x0  }
0x23a: {  	[sflag:s21] =	ssyncadd.s32 $0xFFFFCE00  }
0x23b: {  	_ =	swait.ge [sflag:s25], $0x3200  }
0x23c: {  	[sflag:s25] =	ssyncset.done $0x0  }
0x23d: {  	s30 =	simm.s32 $0x900;
	[sflag:s25] =	ssyncadd.s32 $0xFFFFCE00  }
0x23e: {  	[tilespmem:s16], [sflag:$0x1] =	stream.indirect.gather [hbm4b:s3+s15], $0x80, s30, s15, $0xb8;
	[tilespmem:$0x1EC80] =	vst v63  }
0x23f: {  	s30 =	simm.s32 $0x1400  }
0x240: {  	[spmem:s1] =	stream.indirect.scatter.add.f32 [tilespmem:s18], [sflag:$0x4], $0x80, s30, s15, $0xb8;
	[tilespmem:$0x1EC80] =	vst v63  }
0x241: {  	_ =	swait.ge [sflag:s21], $0x3200  }
0x242: {  	[sflag:s21] =	ssyncset.done $0x0  }
0x243: {  	[sflag:s21] =	ssyncadd.s32 $0xFFFFCE00  }
0x244: {  	_ =	swait.ge [sflag:s14], $0x3200  }
0x245: {  	[sflag:s14] =	ssyncset.done $0x0  }
0x246: {  	s30 =	simm.s32 $0x980;
	[sflag:s14] =	ssyncadd.s32 $0xFFFFCE00  }
0x247: {  	[tilespmem:s18], [sflag:$0x2] =	stream.indirect.gather [hbm4b:s3+s15], $0x80, s30, s15, $0xb8;
	[tilespmem:$0x1EC80] =	vst v63  }
0x248: {  	s30 =	simm.s32 $0x1480  }
0x249: {  	[spmem:s1] =	stream.indirect.scatter.add.f32 [tilespmem:s24], [sflag:$0x4], $0x80, s30, s15, $0xb8;
	[tilespmem:$0x1EC80] =	vst v63  }
0x24a: {  	_ =	swait.ge [sflag:s21], $0x3200  }
0x24b: {  	[sflag:s21] =	ssyncset.done $0x0  }
0x24c: {  	[sflag:s21] =	ssyncadd.s32 $0xFFFFCE00  }
0x24d: {  	_ =	swait.ge [sflag:s22], $0x3200  }
0x24e: {  	[sflag:s22] =	ssyncset.done $0x0  }
0x24f: {  	s30 =	simm.s32 $0x1500;
	[sflag:s22] =	ssyncadd.s32 $0xFFFFCE00  }
0x250: {  	[spmem:s1] =	stream.indirect.scatter.add.f32 [tilespmem:s16], [sflag:$0x4], $0x80, s30, s15, $0xb8;
	[tilespmem:$0x1EC80] =	vst v63  }
0x251: {  	_ =	swait.ge [sflag:s21], $0x3200  }
0x252: {  	[sflag:s21] =	ssyncset.done $0x0  }
0x253: {  	[sflag:s21] =	ssyncadd.s32 $0xFFFFCE00  }
0x254: {  	p1 =	sne.s32 s28, $0xD80;
	_ =	swait.ge [sflag:s25], $0x3200  }
.Ltmp0:
0x255: {  	[sflag:s25] =	ssyncset.done $0x0;
	(pc) =	sbr.rel @p1 .LBB2_2-.Ltmp0, $4  }
0x256: {  	s26 =	smov.u32 s28;
	[sflag:s25] =	ssyncadd.s32 $0xFFFFCE00  }
0x257: {  	[spmem:s1] =	stream.indirect.scatter.add.f32 [tilespmem:s18], [sflag:$0x4], $0x80, s7, s15, $0xb8;
	[tilespmem:$0x1EC80] =	vst v63  }
0x258: {  	s28 =	sadd.s32 $0x180, s28;
	s29 =	sadd.s32 $0xC00, s29;
	_ =	swait.ge [sflag:s21], $0x3200  }
0x259: {  	s31 =	sshrl.u32 s29, $0x3;
	s30 =	rddreg [dreg:$0x4];
	[sflag:s21] =	ssyncset.done $0x0  }
0x25a: {  	s28 =	sadd.s32 s4, s31;
	[sflag:s21] =	ssyncadd.s32 $0xFFFFCE00  }
0x25b: {  	[tilespmem:s2], [sflag:$0x3] =	stream.linear.gather [hbm4b:s28+s2], $0xA00, $0x38;
	[tilespmem:$0x1EC80] =	vst v63  }
0x25c: {  	s26 =	sadd.s32 s26, s30  }
0x25d: {  	[tilespmem:s13], [sflag:$0x3] =	stream.linear.gather [hbm4b:s26+s2], $0xA00, $0x38;
	[tilespmem:$0x1EC80] =	vst v63  }
0x25e: {  	_ =	swait.ge [sflag:s14], $0xA00  }
0x25f: {  	[sflag:s14] =	ssyncset.done $0x0  }
0x260: {  	[sflag:s14] =	ssyncadd.s32 $0xFFFFF600  }
0x261: {  	_ =	swait.ge [sflag:s14], $0xA00  }
0x262: {  	[sflag:s14] =	ssyncset.done $0x0  }
0x263: {  	[sflag:s14] =	ssyncadd.s32 $0xFFFFF600  }
0x264: {  	[tilespmem:s16], [sflag:$0x1] =	stream.indirect.gather [hbm4b:s3+s15], $0x80, s2, s15, $0xb8;
	[tilespmem:$0x1EC80] =	vst v63  }
0x265: {  	s0 =	simm.s32 $0x80  }
0x266: {  	[tilespmem:s18], [sflag:$0x2] =	stream.indirect.gather [hbm4b:s3+s15], $0x80, s0, s15, $0xb8;
	[tilespmem:$0x1EC80] =	vst v63  }
0x267: {  	_ =	swait.ge [sflag:s22], $0x3200  }
0x268: {  	[sflag:s22] =	ssyncset.done $0x0  }
0x269: {  	s6 =	simm.s32 $0x100;
	[sflag:s22] =	ssyncadd.s32 $0xFFFFCE00  }
0x26a: {  	[tilespmem:s24], [sflag:$0x3] =	stream.indirect.gather [hbm4b:s3+s15], $0x80, s6, s15, $0xb8;
	[tilespmem:$0x1EC80] =	vst v63  }
0x26b: {  	_ = 	snop  }
0x26c: {  	[spmem:s1] =	stream.indirect.scatter.add.f32 [tilespmem:s16], [sflag:$0x4], $0x80, s13, s15, $0xb8;
	[tilespmem:$0x1EC80] =	vst v63  }
0x26d: {  	_ =	swait.ge [sflag:s21], $0x3200  }
0x26e: {  	[sflag:s21] =	ssyncset.done $0x0  }
0x26f: {  	[sflag:s21] =	ssyncadd.s32 $0xFFFFCE00  }
0x270: {  	_ =	swait.ge [sflag:s25], $0x3200  }
0x271: {  	[sflag:s25] =	ssyncset.done $0x0  }
0x272: {  	s29 =	simm.s32 $0x180;
	[sflag:s25] =	ssyncadd.s32 $0xFFFFCE00  }
0x273: {  	[tilespmem:s16], [sflag:$0x1] =	stream.indirect.gather [hbm4b:s3+s15], $0x80, s29, s15, $0xb8;
	[tilespmem:$0x1EC80] =	vst v63  }
0x274: {  	s30 =	simm.s32 $0xC80  }
0x275: {  	[spmem:s1] =	stream.indirect.scatter.add.f32 [tilespmem:s18], [sflag:$0x4], $0x80, s30, s15, $0xb8;
	[tilespmem:$0x1EC80] =	vst v63  }
0x276: {  	_ =	swait.ge [sflag:s21], $0x3200  }
0x277: {  	[sflag:s21] =	ssyncset.done $0x0  }
0x278: {  	[sflag:s21] =	ssyncadd.s32 $0xFFFFCE00  }
0x279: {  	_ =	swait.ge [sflag:s14], $0x3200  }
0x27a: {  	[sflag:s14] =	ssyncset.done $0x0  }
0x27b: {  	[sflag:s14] =	ssyncadd.s32 $0xFFFFCE00  }
0x27c: {  	[tilespmem:s18], [sflag:$0x2] =	stream.indirect.gather [hbm4b:s3+s15], $0x80, s8, s15, $0xb8;
	[tilespmem:$0x1EC80] =	vst v63  }
0x27d: {  	_ = 	snop  }
0x27e: {  	[spmem:s1] =	stream.indirect.scatter.add.f32 [tilespmem:s24], [sflag:$0x4], $0x80, s9, s15, $0xb8;
	[tilespmem:$0x1EC80] =	vst v63  }
0x27f: {  	_ =	swait.ge [sflag:s21], $0x3200  }
0x280: {  	[sflag:s21] =	ssyncset.done $0x0  }
0x281: {  	[sflag:s21] =	ssyncadd.s32 $0xFFFFCE00  }
0x282: {  	_ =	swait.ge [sflag:s22], $0x3200  }
0x283: {  	[sflag:s22] =	ssyncset.done $0x0  }
0x284: {  	[sflag:s22] =	ssyncadd.s32 $0xFFFFCE00  }
0x285: {  	[tilespmem:s24], [sflag:$0x3] =	stream.indirect.gather [hbm4b:s3+s15], $0x80, s10, s15, $0xb8;
	[tilespmem:$0x1EC80] =	vst v63  }
0x286: {  	_ = 	snop  }
0x287: {  	[spmem:s1] =	stream.indirect.scatter.add.f32 [tilespmem:s16], [sflag:$0x4], $0x80, s11, s15, $0xb8;
	[tilespmem:$0x1EC80] =	vst v63  }
0x288: {  	_ =	swait.ge [sflag:s21], $0x3200  }
0x289: {  	[sflag:s21] =	ssyncset.done $0x0  }
0x28a: {  	[sflag:s21] =	ssyncadd.s32 $0xFFFFCE00  }
0x28b: {  	_ =	swait.ge [sflag:s25], $0x3200  }
0x28c: {  	[sflag:s25] =	ssyncset.done $0x0  }
0x28d: {  	[sflag:s25] =	ssyncadd.s32 $0xFFFFCE00  }
0x28e: {  	[tilespmem:s16], [sflag:$0x1] =	stream.indirect.gather [hbm4b:s3+s15], $0x80, s5, s15, $0xb8;
	[tilespmem:$0x1EC80] =	vst v63  }
0x28f: {  	_ = 	snop  }
0x290: {  	[spmem:s1] =	stream.indirect.scatter.add.f32 [tilespmem:s18], [sflag:$0x4], $0x80, s12, s15, $0xb8;
	[tilespmem:$0x1EC80] =	vst v63  }
0x291: {  	_ =	swait.ge [sflag:s21], $0x3200  }
0x292: {  	[sflag:s21] =	ssyncset.done $0x0  }
0x293: {  	[sflag:s21] =	ssyncadd.s32 $0xFFFFCE00  }
0x294: {  	_ =	swait.ge [sflag:s14], $0x3200  }
0x295: {  	[sflag:s14] =	ssyncset.done $0x0  }
0x296: {  	[sflag:s14] =	ssyncadd.s32 $0xFFFFCE00  }
0x297: {  	[tilespmem:s18], [sflag:$0x2] =	stream.indirect.gather [hbm4b:s3+s15], $0x80, s20, s15, $0xb8;
	[tilespmem:$0x1EC80] =	vst v63  }
0x298: {  	_ = 	snop  }
0x299: {  	[spmem:s1] =	stream.indirect.scatter.add.f32 [tilespmem:s24], [sflag:$0x4], $0x80, s19, s15, $0xb8;
	[tilespmem:$0x1EC80] =	vst v63  }
0x29a: {  	_ =	swait.ge [sflag:s21], $0x3200  }
0x29b: {  	[sflag:s21] =	ssyncset.done $0x0  }
0x29c: {  	[sflag:s21] =	ssyncadd.s32 $0xFFFFCE00  }
0x29d: {  	_ =	swait.ge [sflag:s22], $0x3200  }
0x29e: {  	[sflag:s22] =	ssyncset.done $0x0  }
0x29f: {  	[sflag:s22] =	ssyncadd.s32 $0xFFFFCE00  }
0x2a0: {  	[tilespmem:s24], [sflag:$0x3] =	stream.indirect.gather [hbm4b:s3+s15], $0x80, s17, s15, $0xb8;
	[tilespmem:$0x1EC80] =	vst v63  }
0x2a1: {  	_ = 	snop  }
0x2a2: {  	[spmem:s1] =	stream.indirect.scatter.add.f32 [tilespmem:s16], [sflag:$0x4], $0x80, s23, s15, $0xb8;
	[tilespmem:$0x1EC80] =	vst v63  }
0x2a3: {  	_ =	swait.ge [sflag:s21], $0x3200  }
0x2a4: {  	[sflag:s21] =	ssyncset.done $0x0  }
0x2a5: {  	[sflag:s21] =	ssyncadd.s32 $0xFFFFCE00  }
0x2a6: {  	_ =	swait.ge [sflag:s25], $0x3200  }
0x2a7: {  	[sflag:s25] =	ssyncset.done $0x0  }
0x2a8: {  	s10 =	simm.s32 $0x480;
	[sflag:s25] =	ssyncadd.s32 $0xFFFFCE00  }
0x2a9: {  	[tilespmem:s16], [sflag:$0x1] =	stream.indirect.gather [hbm4b:s3+s15], $0x80, s10, s15, $0xb8;
	[tilespmem:$0x1EC80] =	vst v63  }
0x2aa: {  	s11 =	simm.s32 $0xF80  }
0x2ab: {  	[spmem:s1] =	stream.indirect.scatter.add.f32 [tilespmem:s18], [sflag:$0x4], $0x80, s11, s15, $0xb8;
	[tilespmem:$0x1EC80] =	vst v63  }
0x2ac: {  	_ =	swait.ge [sflag:s21], $0x3200  }
0x2ad: {  	[sflag:s21] =	ssyncset.done $0x0  }
0x2ae: {  	[sflag:s21] =	ssyncadd.s32 $0xFFFFCE00  }
0x2af: {  	_ =	swait.ge [sflag:s14], $0x3200  }
0x2b0: {  	[sflag:s14] =	ssyncset.done $0x0  }
0x2b1: {  	s12 =	simm.s32 $0x500;
	[sflag:s14] =	ssyncadd.s32 $0xFFFFCE00  }
0x2b2: {  	[tilespmem:s18], [sflag:$0x2] =	stream.indirect.gather [hbm4b:s3+s15], $0x80, s12, s15, $0xb8;
	[tilespmem:$0x1EC80] =	vst v63  }
0x2b3: {  	s17 =	simm.s32 $0x1000  }
0x2b4: {  	[spmem:s1] =	stream.indirect.scatter.add.f32 [tilespmem:s24], [sflag:$0x4], $0x80, s17, s15, $0xb8;
	[tilespmem:$0x1EC80] =	vst v63  }
0x2b5: {  	_ =	swait.ge [sflag:s21], $0x3200  }
0x2b6: {  	[sflag:s21] =	ssyncset.done $0x0  }
0x2b7: {  	[sflag:s21] =	ssyncadd.s32 $0xFFFFCE00  }
0x2b8: {  	_ =	swait.ge [sflag:s22], $0x3200  }
0x2b9: {  	[sflag:s22] =	ssyncset.done $0x0  }
0x2ba: {  	s19 =	simm.s32 $0x580;
	[sflag:s22] =	ssyncadd.s32 $0xFFFFCE00  }
0x2bb: {  	[tilespmem:s24], [sflag:$0x3] =	stream.indirect.gather [hbm4b:s3+s15], $0x80, s19, s15, $0xb8;
	[tilespmem:$0x1EC80] =	vst v63  }
0x2bc: {  	s23 =	simm.s32 $0x1080  }
0x2bd: {  	[spmem:s1] =	stream.indirect.scatter.add.f32 [tilespmem:s16], [sflag:$0x4], $0x80, s23, s15, $0xb8;
	[tilespmem:$0x1EC80] =	vst v63  }
0x2be: {  	_ =	swait.ge [sflag:s21], $0x3200  }
0x2bf: {  	[sflag:s21] =	ssyncset.done $0x0  }
0x2c0: {  	[sflag:s21] =	ssyncadd.s32 $0xFFFFCE00  }
0x2c1: {  	_ =	swait.ge [sflag:s25], $0x3200  }
0x2c2: {  	[sflag:s25] =	ssyncset.done $0x0  }
0x2c3: {  	s26 =	simm.s32 $0x600;
	[sflag:s25] =	ssyncadd.s32 $0xFFFFCE00  }
0x2c4: {  	[tilespmem:s16], [sflag:$0x1] =	stream.indirect.gather [hbm4b:s3+s15], $0x80, s26, s15, $0xb8;
	[tilespmem:$0x1EC80] =	vst v63  }
0x2c5: {  	s28 =	simm.s32 $0x1100  }
0x2c6: {  	[spmem:s1] =	stream.indirect.scatter.add.f32 [tilespmem:s18], [sflag:$0x4], $0x80, s28, s15, $0xb8;
	[tilespmem:$0x1EC80] =	vst v63  }
0x2c7: {  	_ =	swait.ge [sflag:s21], $0x3200  }
0x2c8: {  	[sflag:s21] =	ssyncset.done $0x0  }
0x2c9: {  	[sflag:s21] =	ssyncadd.s32 $0xFFFFCE00  }
0x2ca: {  	_ =	swait.ge [sflag:s14], $0x3200  }
0x2cb: {  	[sflag:s14] =	ssyncset.done $0x0  }
0x2cc: {  	s29 =	simm.s32 $0x680;
	[sflag:s14] =	ssyncadd.s32 $0xFFFFCE00  }
0x2cd: {  	[tilespmem:s18], [sflag:$0x2] =	stream.indirect.gather [hbm4b:s3+s15], $0x80, s29, s15, $0xb8;
	[tilespmem:$0x1EC80] =	vst v63  }
0x2ce: {  	s30 =	simm.s32 $0x1180  }
0x2cf: {  	[spmem:s1] =	stream.indirect.scatter.add.f32 [tilespmem:s24], [sflag:$0x4], $0x80, s30, s15, $0xb8;
	[tilespmem:$0x1EC80] =	vst v63  }
0x2d0: {  	_ =	swait.ge [sflag:s21], $0x3200  }
0x2d1: {  	[sflag:s21] =	ssyncset.done $0x0  }
0x2d2: {  	[sflag:s21] =	ssyncadd.s32 $0xFFFFCE00  }
0x2d3: {  	_ =	swait.ge [sflag:s22], $0x3200  }
0x2d4: {  	[sflag:s22] =	ssyncset.done $0x0  }
0x2d5: {  	s10 =	simm.s32 $0x700;
	[sflag:s22] =	ssyncadd.s32 $0xFFFFCE00  }
0x2d6: {  	[tilespmem:s24], [sflag:$0x3] =	stream.indirect.gather [hbm4b:s3+s15], $0x80, s10, s15, $0xb8;
	[tilespmem:$0x1EC80] =	vst v63  }
0x2d7: {  	s11 =	simm.s32 $0x1200  }
0x2d8: {  	[spmem:s1] =	stream.indirect.scatter.add.f32 [tilespmem:s16], [sflag:$0x4], $0x80, s11, s15, $0xb8;
	[tilespmem:$0x1EC80] =	vst v63  }
0x2d9: {  	_ =	swait.ge [sflag:s21], $0x3200  }
0x2da: {  	[sflag:s21] =	ssyncset.done $0x0  }
0x2db: {  	[sflag:s21] =	ssyncadd.s32 $0xFFFFCE00  }
0x2dc: {  	_ =	swait.ge [sflag:s25], $0x3200  }
0x2dd: {  	[sflag:s25] =	ssyncset.done $0x0  }
0x2de: {  	s12 =	simm.s32 $0x780;
	[sflag:s25] =	ssyncadd.s32 $0xFFFFCE00  }
0x2df: {  	[tilespmem:s16], [sflag:$0x1] =	stream.indirect.gather [hbm4b:s3+s15], $0x80, s12, s15, $0xb8;
	[tilespmem:$0x1EC80] =	vst v63  }
0x2e0: {  	s17 =	simm.s32 $0x1280  }
0x2e1: {  	[spmem:s1] =	stream.indirect.scatter.add.f32 [tilespmem:s18], [sflag:$0x4], $0x80, s17, s15, $0xb8;
	[tilespmem:$0x1EC80] =	vst v63  }
0x2e2: {  	_ =	swait.ge [sflag:s21], $0x3200  }
0x2e3: {  	[sflag:s21] =	ssyncset.done $0x0  }
0x2e4: {  	[sflag:s21] =	ssyncadd.s32 $0xFFFFCE00  }
0x2e5: {  	_ =	swait.ge [sflag:s14], $0x3200  }
0x2e6: {  	[sflag:s14] =	ssyncset.done $0x0  }
0x2e7: {  	s19 =	simm.s32 $0x800;
	[sflag:s14] =	ssyncadd.s32 $0xFFFFCE00  }
0x2e8: {  	[tilespmem:s18], [sflag:$0x2] =	stream.indirect.gather [hbm4b:s3+s15], $0x80, s19, s15, $0xb8;
	[tilespmem:$0x1EC80] =	vst v63  }
0x2e9: {  	s23 =	simm.s32 $0x1300  }
0x2ea: {  	[spmem:s1] =	stream.indirect.scatter.add.f32 [tilespmem:s24], [sflag:$0x4], $0x80, s23, s15, $0xb8;
	[tilespmem:$0x1EC80] =	vst v63  }
0x2eb: {  	_ =	swait.ge [sflag:s21], $0x3200  }
0x2ec: {  	[sflag:s21] =	ssyncset.done $0x0  }
0x2ed: {  	[sflag:s21] =	ssyncadd.s32 $0xFFFFCE00  }
0x2ee: {  	_ =	swait.ge [sflag:s22], $0x3200  }
0x2ef: {  	[sflag:s22] =	ssyncset.done $0x0  }
0x2f0: {  	s26 =	simm.s32 $0x880;
	[sflag:s22] =	ssyncadd.s32 $0xFFFFCE00  }
0x2f1: {  	[tilespmem:s24], [sflag:$0x3] =	stream.indirect.gather [hbm4b:s3+s15], $0x80, s26, s15, $0xb8;
	[tilespmem:$0x1EC80] =	vst v63  }
0x2f2: {  	s28 =	simm.s32 $0x1380  }
0x2f3: {  	[spmem:s1] =	stream.indirect.scatter.add.f32 [tilespmem:s16], [sflag:$0x4], $0x80, s28, s15, $0xb8;
	[tilespmem:$0x1EC80] =	vst v63  }
0x2f4: {  	_ =	swait.ge [sflag:s21], $0x3200  }
0x2f5: {  	[sflag:s21] =	ssyncset.done $0x0  }
0x2f6: {  	[sflag:s21] =	ssyncadd.s32 $0xFFFFCE00  }
0x2f7: {  	_ =	swait.ge [sflag:s25], $0x3200  }
0x2f8: {  	[sflag:s25] =	ssyncset.done $0x0  }
0x2f9: {  	s29 =	simm.s32 $0x900;
	[sflag:s25] =	ssyncadd.s32 $0xFFFFCE00  }
0x2fa: {  	[tilespmem:s16], [sflag:$0x1] =	stream.indirect.gather [hbm4b:s3+s15], $0x80, s29, s15, $0xb8;
	[tilespmem:$0x1EC80] =	vst v63  }
0x2fb: {  	s30 =	simm.s32 $0x1400  }
0x2fc: {  	[spmem:s1] =	stream.indirect.scatter.add.f32 [tilespmem:s18], [sflag:$0x4], $0x80, s30, s15, $0xb8;
	[tilespmem:$0x1EC80] =	vst v63  }
0x2fd: {  	_ =	swait.ge [sflag:s21], $0x3200  }
0x2fe: {  	[sflag:s21] =	ssyncset.done $0x0  }
0x2ff: {  	[sflag:s21] =	ssyncadd.s32 $0xFFFFCE00  }
0x300: {  	_ =	swait.ge [sflag:s14], $0x3200  }
0x301: {  	[sflag:s14] =	ssyncset.done $0x0  }
0x302: {  	s10 =	simm.s32 $0x980;
	[sflag:s14] =	ssyncadd.s32 $0xFFFFCE00  }
0x303: {  	[tilespmem:s18], [sflag:$0x2] =	stream.indirect.gather [hbm4b:s3+s15], $0x80, s10, s15, $0xb8;
	[tilespmem:$0x1EC80] =	vst v63  }
0x304: {  	s11 =	simm.s32 $0x1480  }
0x305: {  	[spmem:s1] =	stream.indirect.scatter.add.f32 [tilespmem:s24], [sflag:$0x4], $0x80, s11, s15, $0xb8;
	[tilespmem:$0x1EC80] =	vst v63  }
0x306: {  	_ =	swait.ge [sflag:s21], $0x3200  }
0x307: {  	[sflag:s21] =	ssyncset.done $0x0  }
0x308: {  	[sflag:s21] =	ssyncadd.s32 $0xFFFFCE00  }
0x309: {  	_ =	swait.ge [sflag:s22], $0x3200  }
0x30a: {  	[sflag:s22] =	ssyncset.done $0x0  }
0x30b: {  	s12 =	simm.s32 $0x1500;
	[sflag:s22] =	ssyncadd.s32 $0xFFFFCE00  }
0x30c: {  	[spmem:s1] =	stream.indirect.scatter.add.f32 [tilespmem:s16], [sflag:$0x4], $0x80, s12, s15, $0xb8;
	[tilespmem:$0x1EC80] =	vst v63  }
0x30d: {  	_ =	swait.ge [sflag:s21], $0x3200  }
0x30e: {  	[sflag:s21] =	ssyncset.done $0x0  }
0x30f: {  	[sflag:s21] =	ssyncadd.s32 $0xFFFFCE00  }
0x310: {  	_ =	swait.ge [sflag:s25], $0x3200  }
0x311: {  	[sflag:s25] =	ssyncset.done $0x0  }
0x312: {  	[sflag:s25] =	ssyncadd.s32 $0xFFFFCE00  }
0x313: {  	[spmem:s1] =	stream.indirect.scatter.add.f32 [tilespmem:s18], [sflag:$0x4], $0x80, s7, s15, $0xb8;
	[tilespmem:$0x1EC80] =	vst v63  }
0x314: {  	_ =	swait.ge [sflag:s21], $0x3200  }
0x315: {  	[sflag:s21] =	ssyncset.done $0x0  }
0x316: {  	[sflag:s21] =	ssyncadd.s32 $0xFFFFCE00  }
0x317: {  	[bflag:$0x0] =	sbarrier.arrive $0xFFFF  }
0x318: {  	s17 =	rddreg [dreg:$0x9]  }
0x319: {  	s19 =	rddreg [dreg:$0xd]  }
0x31a: {  	s23 =	simm.s32 $0x8;
	s31 =	rddreg [dreg:$0xe]  }
0x31b: {  	[hbm:s17@s6], [sflag:s19] =	dma.strided [spmem:s31@s0], $0x2700, s23, $0x10   }
0x31c: {  	s26 =	simm.s32 @!p0 $0x8;
	s28 =	simm.s32 @!p0 $0x100;
	_ =	swait.ge [sflag:s21], $0x2700  }
0x31d: {  	s29 =	simm.s32 @!p0 $0x80;
	[sflag:s21] =	ssyncset.done $0x0;
	s30 =	rddreg [dreg:$0xa]  }
0x31e: {  	s0 =	smov.u32 s19;
	s5 =	rddreg [dreg:$0x10];
	[sflag:s21] =	ssyncadd.s32 $0xFFFFD900  }
0x31f: {  	[hbm:s30@s28], [sflag:s0] =	dma.strided @!p0 [spmem:s5@s29], $0x100, s26, $0x10   }
0x320: {  	s26 =	simm.s32 @!p0 $0x4  }
0x321: {  	_ =	swait.ge @!p0 [sflag:s26], $0x100  }
0x322: {  	s29 =	rddreg [dreg:$0xf]  }
0x323: {  	s30 =	rddreg [dreg:$0xb];
	s5 =	sadd.s32 $0x1, s29  }
0x324: {  	p1 =	sne.s32 s5, s30  }
.Ltmp1:
0x325: {  	_ = 	snop;
	(pc) =	sbr.rel @p1 .LBB2_1-.Ltmp1, $3  }
0x326: {  	_ =	sdelay $0x1  }
0x327: {  	[sflag:s26] =	ssyncset.done @!p0 $0x0  }
0x328: {  	[sflag:s26] =	ssyncadd.s32 @!p0 $0xFFFFFF00  }
0x329: {  	_ =	sfence.sel $0x180000  }
0x32a: {  	[bflag:$0x0] =	sbarrier.arrive $0xFFFF  }
0x32b: {  	_ =	strace $0x90000047  }
0x32c: {  	[bflag:$0x2] =	sbarrier.arrive $0xFFFF  }
0x32d: {  	s0 =	rddreg [dreg:$0x3]  }
0x32e: {  	s0 =	sadd.s32 @!p0 $0x100000, s0  }
0x32f: {  	[sflag:s0] =	ssyncadd.tile.s32 @!p0 $0x1;
	_ =	shalt  }
.Lfunc_end2:
_tile_overlayer_lowered:
.L_overlay_start_2:
0x330: {  	(tag) =	ssettag $0x2  }
0x331: {  	s0 =	rddreg [dreg:$0x0];
	s2 =	stileid.u32  }
0x332: {  	s1 =	rddreg [dreg:$0x1];
	p0 =	sne.s32 s2, $0x0  }
0x333: {  	s3 =	rddreg [dreg:$0x2];
	[bflag:$0x3] =	sbarrier.arrive $0xFFFF;
	s2 =	simm.s32 @!p0 $0x1C04  }
0x334: {  	[timem:s3], [sflag:s2] =	dma.local @!p0 [hbm:s0], s1  }
0x335: {  	s0 =	simm.s32 @!p0 $0x4  }
0x336: {  	_ =	swait.ge @!p0 [sflag:s0], s1  }
0x337: {  	s1 =	ssub.s32 @!p0 $0x0, s1;
	[sflag:s0] =	ssyncset.done @!p0 $0x0  }
0x338: {  	[sflag:s0] =	ssyncadd.s32 @!p0 s1  }
0x339: {  	[bflag:$0x3] =	sbarrier.arrive $0xFFFF  }
0x33a: {  	_ =	shalt  }

</sc_bundles>
